<compile_context>
chip_gen: v7x
topology: tpu7x:2x2x1
jax: 0.10.2.dev20260603
libtpu: 0.0.44.dev20260713+nightly
codegen_flags: <defaults>
</compile_context>

<pallas_src>
import functools

import jax
import jax.numpy as jnp
from jax import lax
from jax.experimental import pallas as pl
from jax.experimental.pallas import tpu as pltpu
from jax.experimental.pallas import tpu_sc as plsc

N = 10000
E = 320000
IN_DIM = 128
OUT_DIM = 128
EDGE_DIM = 16
H = 8
DH = OUT_DIM // H
SCALE = DH ** -0.5
EPS = 1e-5

NC = 2
NS = 16
NW = NC * NS
NPAD = 10240
WROWS = OUT_DIM // NW

CE = 8000
NCH = E // CE
GRP = CE // 16

QKV_BLK = 2000
EDGE_BLK = 2560
NODE_BLK = 2048

_f32 = jnp.float32


def _qkv_body(x_ref, wq_ref, wk_ref, wv_ref, bq_ref, bk_ref, bv_ref,
              q_ref, k_ref, v_ref):
    xb = x_ref[...]
    q_ref[...] = jnp.dot(xb, wq_ref[...], preferred_element_type=_f32) + bq_ref[...]
    k_ref[...] = jnp.dot(xb, wk_ref[...], preferred_element_type=_f32) + bk_ref[...]
    v_ref[...] = jnp.dot(xb, wv_ref[...], preferred_element_type=_f32) + bv_ref[...]


def _qkv(x, Wq, Wk, Wv, bq, bk, bv):
    blk = pl.BlockSpec((QKV_BLK, IN_DIM), lambda i: (i, 0))
    wspec = pl.BlockSpec((IN_DIM, OUT_DIM), lambda i: (0, 0))
    bspec = pl.BlockSpec((1, OUT_DIM), lambda i: (0, 0))
    return pl.pallas_call(
        _qkv_body,
        grid=(N // QKV_BLK,),
        in_specs=[blk, wspec, wspec, wspec, bspec, bspec, bspec],
        out_specs=[pl.BlockSpec((QKV_BLK, OUT_DIM), lambda i: (i, 0))] * 3,
        out_shape=[jax.ShapeDtypeStruct((N, OUT_DIM), _f32)] * 3,
    )(x, Wq, Wk, Wv, bq.reshape(1, -1), bk.reshape(1, -1), bv.reshape(1, -1))


GCH = 128
ET = E // NW
GFULL = ET // GCH
GTAIL = ET - GFULL * GCH


def _gather_body(src_hbm, dst_hbm, q_hbm, k_hbm, v_hbm,
                 qd_hbm, ks_hbm, vs_hbm,
                 sidx2, didx2, sidx_t, didx_t,
                 qv2, kv2, vv2, qv_t, kv_t, vv_t,
                 gsem, wsem, sem2):
    cid = lax.axis_index("c")
    sid = lax.axis_index("s")
    wid = sid * NC + cid
    base = wid * ET

    def fetch(j, par):
        off = pl.multiple_of(base + j * GCH, 8)
        pltpu.sync_copy(src_hbm.at[pl.ds(off, GCH)], sidx2.at[par])
        pltpu.sync_copy(dst_hbm.at[pl.ds(off, GCH)], didx2.at[par])
        pltpu.async_copy(q_hbm.at[didx2.at[par]], qv2.at[par], gsem)
        pltpu.async_copy(k_hbm.at[sidx2.at[par]], kv2.at[par], gsem)
        pltpu.async_copy(v_hbm.at[sidx2.at[par]], vv2.at[par], gsem)

    fetch(0, 0)

    def chunk(j, carry):
        par = lax.rem(j, 2)
        off = pl.multiple_of(base + j * GCH, 8)

        @pl.when(j > 0)
        def _():
            offp = pl.multiple_of(off - GCH, 8)
            pltpu.make_async_copy(qv2.at[1 - par],
                                  qd_hbm.at[pl.ds(offp, GCH)], wsem).wait()
            pltpu.make_async_copy(kv2.at[1 - par],
                                  ks_hbm.at[pl.ds(offp, GCH)], wsem).wait()
            pltpu.make_async_copy(vv2.at[1 - par],
                                  vs_hbm.at[pl.ds(offp, GCH)], wsem).wait()

        pltpu.make_async_copy(q_hbm.at[didx2.at[par]], qv2.at[par],
                              gsem).wait()
        pltpu.make_async_copy(k_hbm.at[sidx2.at[par]], kv2.at[par],
                              gsem).wait()
        pltpu.make_async_copy(v_hbm.at[sidx2.at[par]], vv2.at[par],
                              gsem).wait()

        @pl.when(j + 1 < GFULL)
        def _():
            fetch(j + 1, 1 - par)

        pltpu.async_copy(qv2.at[par], qd_hbm.at[pl.ds(off, GCH)], wsem)
        pltpu.async_copy(kv2.at[par], ks_hbm.at[pl.ds(off, GCH)], wsem)
        pltpu.async_copy(vv2.at[par], vs_hbm.at[pl.ds(off, GCH)], wsem)
        return carry

    lax.fori_loop(0, GFULL, chunk, 0)
    lastpar = (GFULL - 1) % 2
    lastoff = base + (GFULL - 1) * GCH
    pltpu.make_async_copy(qv2.at[lastpar],
                          qd_hbm.at[pl.ds(lastoff, GCH)], wsem).wait()
    pltpu.make_async_copy(kv2.at[lastpar],
                          ks_hbm.at[pl.ds(lastoff, GCH)], wsem).wait()
    pltpu.make_async_copy(vv2.at[lastpar],
                          vs_hbm.at[pl.ds(lastoff, GCH)], wsem).wait()
    off = base + GFULL * GCH
    pltpu.sync_copy(src_hbm.at[pl.ds(off, GTAIL)], sidx_t)
    pltpu.sync_copy(dst_hbm.at[pl.ds(off, GTAIL)], didx_t)
    cq = pltpu.async_copy(q_hbm.at[didx_t], qv_t, gsem)
    ck = pltpu.async_copy(k_hbm.at[sidx_t], kv_t, wsem)
    cv = pltpu.async_copy(v_hbm.at[sidx_t], vv_t, sem2)
    cq.wait()
    ck.wait()
    cv.wait()
    pltpu.sync_copy(qv_t, qd_hbm.at[pl.ds(off, GTAIL)])
    pltpu.sync_copy(kv_t, ks_hbm.at[pl.ds(off, GTAIL)])
    pltpu.sync_copy(vv_t, vs_hbm.at[pl.ds(off, GTAIL)])


def _gather(src, dst, q, k, v):
    mesh = plsc.VectorSubcoreMesh(core_axis_name="c", subcore_axis_name="s",
                                  num_cores=NC, num_subcores=NS)
    f = functools.partial(
        pl.kernel,
        mesh=mesh,
        out_type=[jax.ShapeDtypeStruct((E, OUT_DIM), _f32)] * 3,
        scratch_types=[
            pltpu.VMEM((2, GCH), jnp.int32),
            pltpu.VMEM((2, GCH), jnp.int32),
            pltpu.VMEM((GTAIL,), jnp.int32),
            pltpu.VMEM((GTAIL,), jnp.int32),
            pltpu.VMEM((2, GCH, OUT_DIM), _f32),
            pltpu.VMEM((2, GCH, OUT_DIM), _f32),
            pltpu.VMEM((2, GCH, OUT_DIM), _f32),
            pltpu.VMEM((GTAIL, OUT_DIM), _f32),
            pltpu.VMEM((GTAIL, OUT_DIM), _f32),
            pltpu.VMEM((GTAIL, OUT_DIM), _f32),
            pltpu.SemaphoreType.DMA,
            pltpu.SemaphoreType.DMA,
            pltpu.SemaphoreType.DMA,
        ],
    )(_gather_body)
    return f(src, dst, q, k, v)


def _edge_body(qd_ref, ks_ref, vs_ref, ea_ref, g_ref, wex_ref, bex_ref,
               dsel_ref, eye_ref, wt_ref, et_ref):
    prod = qd_ref[...] * ks_ref[...]
    score = (jnp.dot(prod, g_ref[...], preferred_element_type=_f32)
             + jnp.dot(ea_ref[...], wex_ref[...], preferred_element_type=_f32)
             + bex_ref[...])
    exx = jnp.exp(score)
    w = vs_ref[...] * exx
    wt_ref[...] = lax.dot_general(
        eye_ref[...], w, (((0,), (1,)), ((), ())),
        preferred_element_type=_f32)
    et_ref[...] = lax.dot_general(
        dsel_ref[...], exx, (((1,), (1,)), ((), ())),
        preferred_element_type=_f32)


def _edge_compute(qd, ks, vs, ea, G, WeX, beX, Dsel, Eye):
    eblk = pl.BlockSpec((EDGE_BLK, OUT_DIM), lambda i: (i, 0))
    return pl.pallas_call(
        _edge_body,
        grid=(E // EDGE_BLK,),
        in_specs=[eblk, eblk, eblk,
                  pl.BlockSpec((EDGE_BLK, EDGE_DIM), lambda i: (i, 0)),
                  pl.BlockSpec((OUT_DIM, OUT_DIM), lambda i: (0, 0)),
                  pl.BlockSpec((EDGE_DIM, OUT_DIM), lambda i: (0, 0)),
                  pl.BlockSpec((1, OUT_DIM), lambda i: (0, 0)),
                  pl.BlockSpec((H, OUT_DIM), lambda i: (0, 0)),
                  pl.BlockSpec((OUT_DIM, OUT_DIM), lambda i: (0, 0))],
        out_specs=[pl.BlockSpec((OUT_DIM, EDGE_BLK), lambda i: (0, i)),
                   pl.BlockSpec((H, EDGE_BLK), lambda i: (0, i))],
        out_shape=[jax.ShapeDtypeStruct((OUT_DIM, E), _f32),
                   jax.ShapeDtypeStruct((H, E), _f32)],
    )(qd, ks, vs, ea, G, WeX, beX, Dsel, Eye)


def _scatter_body(wt_hbm, et_hbm, dst_hbm, z_hbm, owt_hbm, oet_hbm,
                  didx, wb, eb, a0, a1, a2, a3, ae):
    cid = lax.axis_index("c")
    sid = lax.axis_index("s")
    u = sid * NC + cid
    accs = [a0, a1, a2, a3]
    for a in accs:
        pltpu.sync_copy(z_hbm, a)
    pltpu.sync_copy(z_hbm, ae)
    row0 = u * WROWS
    is_e = u < H

    def chunk(j, carry):
        off = pl.multiple_of(j * CE, 8)
        pltpu.sync_copy(dst_hbm.at[pl.ds(off, CE)], didx)
        for r in range(WROWS):
            pltpu.sync_copy(wt_hbm.at[row0 + r, pl.ds(off, CE)], wb.at[r])

        @pl.when(is_e)
        def _():
            pltpu.sync_copy(et_hbm.at[u, pl.ds(off, CE)], eb)

        def grp(g, c2):
            s16 = pl.multiple_of(g * 16, 16)
            idxv = didx[pl.ds(s16, 16)]
            for r in range(WROWS):
                plsc.addupdate_scatter(accs[r], [idxv],
                                       wb[r, pl.ds(s16, 16)])
            return c2

        lax.fori_loop(0, GRP, grp, 0, unroll=4)

        @pl.when(is_e)
        def _():
            def grp_e(g, c2):
                s16 = pl.multiple_of(g * 16, 16)
                idxv = didx[pl.ds(s16, 16)]
                plsc.addupdate_scatter(ae, [idxv], eb[pl.ds(s16, 16)])
                return c2
            lax.fori_loop(0, GRP, grp_e, 0, unroll=4)
        return carry

    lax.fori_loop(0, NCH, chunk, 0)
    for r in range(WROWS):
        pltpu.sync_copy(accs[r], owt_hbm.at[row0 + r])

    @pl.when(is_e)
    def _():
        pltpu.sync_copy(ae, oet_hbm.at[u])


def _scatter(wT, eT, dst, z):
    mesh = plsc.VectorSubcoreMesh(core_axis_name="c", subcore_axis_name="s",
                                  num_cores=NC, num_subcores=NS)
    f = functools.partial(
        pl.kernel,
        mesh=mesh,
        compiler_params=pltpu.CompilerParams(
            needs_layout_passes=False, use_tc_tiling_on_sc=False),
        out_type=[jax.ShapeDtypeStruct((OUT_DIM, NPAD), _f32),
                  jax.ShapeDtypeStruct((H, NPAD), _f32)],
        scratch_types=[
            pltpu.VMEM((CE,), jnp.int32),
            pltpu.VMEM((WROWS, CE), _f32),
            pltpu.VMEM((CE,), _f32),
            pltpu.VMEM((NPAD,), _f32),
            pltpu.VMEM((NPAD,), _f32),
            pltpu.VMEM((NPAD,), _f32),
            pltpu.VMEM((NPAD,), _f32),
            pltpu.VMEM((NPAD,), _f32),
        ],
    )(_scatter_body)
    return f(wT, eT, dst, z)


def _final_body(owt_ref, oet_ref, mexpt_ref, wo_ref, bo_ref, g_ref, b_ref,
                out_ref):
    numt = owt_ref[...]
    den = jnp.dot(mexpt_ref[...], oet_ref[...],
                  preferred_element_type=_f32)
    den = jnp.where(den == 0.0, 1.0, den)
    ratio = numt / den
    y = lax.dot_general(ratio, wo_ref[...], (((0,), (0,)), ((), ())),
                        preferred_element_type=_f32) + bo_ref[...]
    mu = jnp.mean(y, axis=1, keepdims=True)
    var = jnp.mean((y - mu) ** 2, axis=1, keepdims=True)
    out_ref[...] = (y - mu) * lax.rsqrt(var + EPS) * g_ref[...] + b_ref[...]


def _finalize(owT, oeT, MexpT, Wo, bo, gamma, beta):
    return pl.pallas_call(
        _final_body,
        grid=(pl.cdiv(N, NODE_BLK),),
        in_specs=[pl.BlockSpec((OUT_DIM, NODE_BLK), lambda i: (0, i)),
                  pl.BlockSpec((H, NODE_BLK), lambda i: (0, i)),
                  pl.BlockSpec((OUT_DIM, H), lambda i: (0, 0)),
                  pl.BlockSpec((OUT_DIM, OUT_DIM), lambda i: (0, 0)),
                  pl.BlockSpec((1, OUT_DIM), lambda i: (0, 0)),
                  pl.BlockSpec((1, OUT_DIM), lambda i: (0, 0)),
                  pl.BlockSpec((1, OUT_DIM), lambda i: (0, 0))],
        out_specs=pl.BlockSpec((NODE_BLK, OUT_DIM), lambda i: (i, 0)),
        out_shape=jax.ShapeDtypeStruct((N, OUT_DIM), _f32),
    )(owT, oeT, MexpT, Wo, bo.reshape(1, -1), gamma.reshape(1, -1),
      beta.reshape(1, -1))


def kernel(x, edge_index, edge_attr, batch, Wq, bq, Wk, bk, Wv, bv, We, be,
           Wo, bo, gamma, beta):
    src = edge_index[0]
    dst = edge_index[1]

    head_of = jnp.arange(OUT_DIM) // DH
    G = (head_of[:, None] == head_of[None, :]).astype(_f32) * SCALE
    Mexp = (jnp.arange(H)[:, None] == head_of[None, :]).astype(_f32)
    WeX = We @ Mexp
    beX = (be @ Mexp).reshape(1, OUT_DIM)
    Dsel = (jnp.arange(H)[:, None] * DH == jnp.arange(OUT_DIM)[None, :])
    Dsel = Dsel.astype(_f32)
    Eye = jnp.eye(OUT_DIM, dtype=_f32)
    MexpT = Mexp.T

    q, k, v = _qkv(x, Wq, Wk, Wv, bq, bk, bv)
    qd, ks, vs = _gather(src, dst, q, k, v)
    wT, eT = _edge_compute(qd, ks, vs, edge_attr, G, WeX, beX, Dsel, Eye)
    z = jnp.zeros((NPAD,), _f32)
    owT, oeT = _scatter(wT, eT, dst, z)
    out = _finalize(owT, oeT, MexpT, Wo, bo, gamma, beta)
    return out

# --- scband reference (transcript-rebuilt; emitter-appended) ---
"""Pipeline reference for scband-crystal-graph-diffusion-model-81484119540315 (READ-ONLY COPY).

The authoritative reference and input builder live on the scoring server;
editing this copy changes nothing except your own understanding.
"""

import jax, jax.numpy as jnp
import numpy as np

N = 10000
E = 320000
IN_DIM = 128
OUT_DIM = 128
EDGE_DIM = 16
H = 8
DH = OUT_DIM // H
SCALE = DH ** -0.5
EPS = 1e-5


def setup_inputs(seed: int = 0):
    key = jax.random.key(seed)
    ks = jax.random.split(key, 16)
    s = 0.05
    inp = {}
    inp['x'] = jax.random.normal(ks[0], (N, IN_DIM), dtype=jnp.float32)
    inp['edge_index'] = jax.random.randint(ks[1], (2, E), 0, N, dtype=jnp.int32)
    inp['edge_attr'] = jax.random.normal(ks[2], (E, EDGE_DIM), dtype=jnp.float32)
    inp['batch'] = jnp.sort(jax.random.randint(ks[3], (N,), 0, 16, dtype=jnp.int32))
    inp['Wq'] = jax.random.normal(ks[4], (IN_DIM, OUT_DIM), dtype=jnp.float32) * s
    inp['bq'] = jnp.zeros((OUT_DIM,), dtype=jnp.float32)
    inp['Wk'] = jax.random.normal(ks[5], (IN_DIM, OUT_DIM), dtype=jnp.float32) * s
    inp['bk'] = jnp.zeros((OUT_DIM,), dtype=jnp.float32)
    inp['Wv'] = jax.random.normal(ks[6], (IN_DIM, OUT_DIM), dtype=jnp.float32) * s
    inp['bv'] = jnp.zeros((OUT_DIM,), dtype=jnp.float32)
    inp['We'] = jax.random.normal(ks[7], (EDGE_DIM, H), dtype=jnp.float32) * s
    inp['be'] = jnp.zeros((H,), dtype=jnp.float32)
    inp['Wo'] = jax.random.normal(ks[8], (OUT_DIM, OUT_DIM), dtype=jnp.float32) * s
    inp['bo'] = jnp.zeros((OUT_DIM,), dtype=jnp.float32)
    inp['gamma'] = jnp.ones((OUT_DIM,), dtype=jnp.float32)
    inp['beta'] = jnp.zeros((OUT_DIM,), dtype=jnp.float32)
    return inp


def reference(x, edge_index, edge_attr, batch, Wq, bq, Wk, bk, Wv, bv, We, be, Wo, bo, gamma, beta):
    num_nodes = x.shape[0]
    q = (x @ Wq + bq).reshape(num_nodes, H, DH)
    k = (x @ Wk + bk).reshape(num_nodes, H, DH)
    v = (x @ Wv + bv).reshape(num_nodes, H, DH)
    edge_weights = edge_attr @ We + be  # [E, H]
    src = edge_index[0]
    dst = edge_index[1]
    q_dst = q[dst]
    k_src = k[src]
    scores = jnp.sum(q_dst * k_src, axis=-1) * SCALE + edge_weights  # [E, H]
    # scatter_softmax over dst per head
    mx = jax.ops.segment_max(scores, dst, num_segments=num_nodes)
    mx = jax.lax.stop_gradient(mx)
    ex = jnp.exp(scores - mx[dst])
    denom = jax.ops.segment_sum(ex, dst, num_segments=num_nodes)
    alpha = ex / denom[dst]  # [E, H]
    v_src = v[src]  # [E, H, DH]
    weighted = v_src * alpha[:, :, None]
    out = jax.ops.segment_sum(weighted, dst, num_segments=num_nodes)  # [N, H, DH]
    out = out.reshape(num_nodes, OUT_DIM)
    out = out @ Wo + bo
    mu = jnp.mean(out, axis=-1, keepdims=True)
    var = jnp.mean((out - mu) ** 2, axis=-1, keepdims=True)
    out = (out - mu) / jnp.sqrt(var + EPS) * gamma + beta
    return out

if __name__ == "__main__":
    import jax
    _d = setup_inputs()
    print(jax.jit(kernel)(*tuple(_d.values())))

</pallas_src>

<mosaic_0001>
#map = affine_map<(d0, d1) -> (0, 0)>
#map1 = affine_map<(d0, d1) -> (0)>
module attributes {stable_mosaic.version = 14 : i64} {
  func.func @_scatter_body(%arg0: i32, %arg1: i32, %arg2: memref<128x320000xf32, #tpu.memory_space<hbm>>, %arg3: memref<8x320000xf32, #tpu.memory_space<hbm>>, %arg4: memref<320000xi32, #tpu.memory_space<hbm>>, %arg5: memref<10240xf32, #tpu.memory_space<hbm>>, %arg6: memref<128x10240xf32, #tpu.memory_space<hbm>>, %arg7: memref<8x10240xf32, #tpu.memory_space<hbm>>, %arg8: memref<8000xi32, #tpu.memory_space<vmem>>, %arg9: memref<4x8000xf32, #tpu.memory_space<vmem>>, %arg10: memref<8000xf32, #tpu.memory_space<vmem>>, %arg11: memref<10240xf32, #tpu.memory_space<vmem>>, %arg12: memref<10240xf32, #tpu.memory_space<vmem>>, %arg13: memref<10240xf32, #tpu.memory_space<vmem>>, %arg14: memref<10240xf32, #tpu.memory_space<vmem>>, %arg15: memref<10240xf32, #tpu.memory_space<vmem>>) attributes {dimension_semantics = [#tpu.dimension_semantics<core_parallel>, #tpu.dimension_semantics<subcore_parallel>], iteration_bounds = array<i64: 2, 16>, scalar_prefetch = 0 : i64, scratch_operands = 8 : i64, tpu.core_type = #tpu.core_type<sc_vector_subcore>, window_params = [{transform_indices = #map}, {transform_indices = #map}, {transform_indices = #map1}, {transform_indices = #map1}, {transform_indices = #map}, {transform_indices = #map}]} {
    %mul3A = arith.constant 2 : i32
    %mul3A_0 = arith.muli %arg1, %mul3A : i32
    %add3A = arith.addi %mul3A_0, %arg0 : i32
    "tpu.region"() ({
      %run_scoped3A = tpu.sem_alloc : memref<!tpu.dma_semaphore, #tpu.memory_space<semaphore_mem>>
      tpu.enqueue_dma source(%arg5 : memref<10240xf32, #tpu.memory_space<hbm>>) target(%arg11 : memref<10240xf32, #tpu.memory_space<vmem>>) target_semaphore(%run_scoped3A : memref<!tpu.dma_semaphore, #tpu.memory_space<semaphore_mem>>)
      tpu.wait_dma2 semaphore(%run_scoped3A : memref<!tpu.dma_semaphore, #tpu.memory_space<semaphore_mem>>) src(%arg5 : memref<10240xf32, #tpu.memory_space<hbm>>) dst(%arg11 : memref<10240xf32, #tpu.memory_space<vmem>>)
      tpu.yield
    }) : () -> ()
    "tpu.region"() ({
      %run_scoped3A = tpu.sem_alloc : memref<!tpu.dma_semaphore, #tpu.memory_space<semaphore_mem>>
      tpu.enqueue_dma source(%arg5 : memref<10240xf32, #tpu.memory_space<hbm>>) target(%arg12 : memref<10240xf32, #tpu.memory_space<vmem>>) target_semaphore(%run_scoped3A : memref<!tpu.dma_semaphore, #tpu.memory_space<semaphore_mem>>)
      tpu.wait_dma2 semaphore(%run_scoped3A : memref<!tpu.dma_semaphore, #tpu.memory_space<semaphore_mem>>) src(%arg5 : memref<10240xf32, #tpu.memory_space<hbm>>) dst(%arg12 : memref<10240xf32, #tpu.memory_space<vmem>>)
      tpu.yield
    }) : () -> ()
    "tpu.region"() ({
      %run_scoped3A = tpu.sem_alloc : memref<!tpu.dma_semaphore, #tpu.memory_space<semaphore_mem>>
      tpu.enqueue_dma source(%arg5 : memref<10240xf32, #tpu.memory_space<hbm>>) target(%arg13 : memref<10240xf32, #tpu.memory_space<vmem>>) target_semaphore(%run_scoped3A : memref<!tpu.dma_semaphore, #tpu.memory_space<semaphore_mem>>)
      tpu.wait_dma2 semaphore(%run_scoped3A : memref<!tpu.dma_semaphore, #tpu.memory_space<semaphore_mem>>) src(%arg5 : memref<10240xf32, #tpu.memory_space<hbm>>) dst(%arg13 : memref<10240xf32, #tpu.memory_space<vmem>>)
      tpu.yield
    }) : () -> ()
    "tpu.region"() ({
      %run_scoped3A = tpu.sem_alloc : memref<!tpu.dma_semaphore, #tpu.memory_space<semaphore_mem>>
      tpu.enqueue_dma source(%arg5 : memref<10240xf32, #tpu.memory_space<hbm>>) target(%arg14 : memref<10240xf32, #tpu.memory_space<vmem>>) target_semaphore(%run_scoped3A : memref<!tpu.dma_semaphore, #tpu.memory_space<semaphore_mem>>)
      tpu.wait_dma2 semaphore(%run_scoped3A : memref<!tpu.dma_semaphore, #tpu.memory_space<semaphore_mem>>) src(%arg5 : memref<10240xf32, #tpu.memory_space<hbm>>) dst(%arg14 : memref<10240xf32, #tpu.memory_space<vmem>>)
      tpu.yield
    }) : () -> ()
    "tpu.region"() ({
      %run_scoped3A = tpu.sem_alloc : memref<!tpu.dma_semaphore, #tpu.memory_space<semaphore_mem>>
      tpu.enqueue_dma source(%arg5 : memref<10240xf32, #tpu.memory_space<hbm>>) target(%arg15 : memref<10240xf32, #tpu.memory_space<vmem>>) target_semaphore(%run_scoped3A : memref<!tpu.dma_semaphore, #tpu.memory_space<semaphore_mem>>)
      tpu.wait_dma2 semaphore(%run_scoped3A : memref<!tpu.dma_semaphore, #tpu.memory_space<semaphore_mem>>) src(%arg5 : memref<10240xf32, #tpu.memory_space<hbm>>) dst(%arg15 : memref<10240xf32, #tpu.memory_space<vmem>>)
      tpu.yield
    }) : () -> ()
    %mul3A_1 = arith.constant 4 : i32
    %mul3A_2 = arith.muli %add3A, %mul3A_1 : i32
    %lt3A = arith.constant 8 : i32
    %lt3A_3 = arith.cmpi slt, %add3A, %lt3A : i32
    %scan3A = arith.constant 0 : i32
    %scan3A_4 = arith.constant 0 : i32
    %scan3A_5 = arith.constant 40 : i32
    %scan3A_6 = arith.addi %scan3A_4, %scan3A_5 : i32
    %scan3A_7 = arith.constant 1 : i32
    scf.for %scan3A_18 = %scan3A_4 to %scan3A_6 step %scan3A_7  : i32 {
      %mul3A_19 = arith.constant 8000 : i32
      %mul3A_20 = arith.muli %scan3A_18, %mul3A_19 : i32
      %multiple_of3A = tpu.assume_multiple %mul3A_20, 8 : i32
      "tpu.region"() ({
        %run_scoped3A_44 = tpu.sem_alloc : memref<!tpu.dma_semaphore, #tpu.memory_space<semaphore_mem>>
        %dma_start3A = tpu.memref_slice %arg4[%multiple_of3A] : memref<320000xi32, #tpu.memory_space<hbm>> -> memref<8000xi32, #tpu.memory_space<hbm>>
        %dma_start3A_45 = tpu.memref_slice %arg4[%multiple_of3A] : memref<320000xi32, #tpu.memory_space<hbm>> -> memref<8000xi32, #tpu.memory_space<hbm>>
        tpu.enqueue_dma source(%dma_start3A_45 : memref<8000xi32, #tpu.memory_space<hbm>>) target(%arg8 : memref<8000xi32, #tpu.memory_space<vmem>>) target_semaphore(%run_scoped3A_44 : memref<!tpu.dma_semaphore, #tpu.memory_space<semaphore_mem>>)
        %dma_wait3A = tpu.memref_slice %arg4[%multiple_of3A] : memref<320000xi32, #tpu.memory_space<hbm>> -> memref<8000xi32, #tpu.memory_space<hbm>>
        %dma_wait3A_46 = tpu.memref_slice %arg4[%multiple_of3A] : memref<320000xi32, #tpu.memory_space<hbm>> -> memref<8000xi32, #tpu.memory_space<hbm>>
        tpu.wait_dma2 semaphore(%run_scoped3A_44 : memref<!tpu.dma_semaphore, #tpu.memory_space<semaphore_mem>>) src(%dma_wait3A_46 : memref<8000xi32, #tpu.memory_space<hbm>>) dst(%arg8 : memref<8000xi32, #tpu.memory_space<vmem>>)
        tpu.yield
      }) : () -> ()
      %add3A_21 = arith.constant 0 : i32
      %add3A_22 = arith.addi %mul3A_2, %add3A_21 : i32
      %run_scoped3A = arith.constant 0 : i32
      "tpu.region"() ({
        %run_scoped3A_44 = tpu.sem_alloc : memref<!tpu.dma_semaphore, #tpu.memory_space<semaphore_mem>>
        %dma_start3A = arith.constant 0 : i32
        %dma_start3A_45 = tpu.memref_slice %arg9[%run_scoped3A, %dma_start3A] : memref<4x8000xf32, #tpu.memory_space<vmem>> -> memref<1x8000xf32, #tpu.memory_space<vmem>>
        %dma_start3A_46 = tpu.memref_squeeze %dma_start3A_45 : memref<1x8000xf32, #tpu.memory_space<vmem>> -> memref<8000xf32, #tpu.memory_space<vmem>>
        %dma_start3A_47 = tpu.memref_slice %arg2[%add3A_22, %multiple_of3A] : memref<128x320000xf32, #tpu.memory_space<hbm>> -> memref<1x8000xf32, #tpu.memory_space<hbm>>
        %dma_start3A_48 = tpu.memref_squeeze %dma_start3A_47 : memref<1x8000xf32, #tpu.memory_space<hbm>> -> memref<8000xf32, #tpu.memory_space<hbm>>
        %dma_start3A_49 = arith.constant 0 : i32
        %dma_start3A_50 = tpu.memref_slice %arg9[%run_scoped3A, %dma_start3A_49] : memref<4x8000xf32, #tpu.memory_space<vmem>> -> memref<1x8000xf32, #tpu.memory_space<vmem>>
        %dma_start3A_51 = tpu.memref_squeeze %dma_start3A_50 : memref<1x8000xf32, #tpu.memory_space<vmem>> -> memref<8000xf32, #tpu.memory_space<vmem>>
        %dma_start3A_52 = tpu.memref_slice %arg2[%add3A_22, %multiple_of3A] : memref<128x320000xf32, #tpu.memory_space<hbm>> -> memref<1x8000xf32, #tpu.memory_space<hbm>>
        %dma_start3A_53 = tpu.memref_squeeze %dma_start3A_52 : memref<1x8000xf32, #tpu.memory_space<hbm>> -> memref<8000xf32, #tpu.memory_space<hbm>>
        tpu.enqueue_dma source(%dma_start3A_53 : memref<8000xf32, #tpu.memory_space<hbm>>) target(%dma_start3A_51 : memref<8000xf32, #tpu.memory_space<vmem>>) target_semaphore(%run_scoped3A_44 : memref<!tpu.dma_semaphore, #tpu.memory_space<semaphore_mem>>)
        %dma_wait3A = arith.constant 0 : i32
        %dma_wait3A_54 = tpu.memref_slice %arg9[%run_scoped3A, %dma_wait3A] : memref<4x8000xf32, #tpu.memory_space<vmem>> -> memref<1x8000xf32, #tpu.memory_space<vmem>>
        %dma_wait3A_55 = tpu.memref_squeeze %dma_wait3A_54 : memref<1x8000xf32, #tpu.memory_space<vmem>> -> memref<8000xf32, #tpu.memory_space<vmem>>
        %dma_wait3A_56 = tpu.memref_slice %arg2[%add3A_22, %multiple_of3A] : memref<128x320000xf32, #tpu.memory_space<hbm>> -> memref<1x8000xf32, #tpu.memory_space<hbm>>
        %dma_wait3A_57 = tpu.memref_squeeze %dma_wait3A_56 : memref<1x8000xf32, #tpu.memory_space<hbm>> -> memref<8000xf32, #tpu.memory_space<hbm>>
        %dma_wait3A_58 = arith.constant 0 : i32
        %dma_wait3A_59 = tpu.memref_slice %arg9[%run_scoped3A, %dma_wait3A_58] : memref<4x8000xf32, #tpu.memory_space<vmem>> -> memref<1x8000xf32, #tpu.memory_space<vmem>>
        %dma_wait3A_60 = tpu.memref_squeeze %dma_wait3A_59 : memref<1x8000xf32, #tpu.memory_space<vmem>> -> memref<8000xf32, #tpu.memory_space<vmem>>
        %dma_wait3A_61 = tpu.memref_slice %arg2[%add3A_22, %multiple_of3A] : memref<128x320000xf32, #tpu.memory_space<hbm>> -> memref<1x8000xf32, #tpu.memory_space<hbm>>
        %dma_wait3A_62 = tpu.memref_squeeze %dma_wait3A_61 : memref<1x8000xf32, #tpu.memory_space<hbm>> -> memref<8000xf32, #tpu.memory_space<hbm>>
        tpu.wait_dma2 semaphore(%run_scoped3A_44 : memref<!tpu.dma_semaphore, #tpu.memory_space<semaphore_mem>>) src(%dma_wait3A_62 : memref<8000xf32, #tpu.memory_space<hbm>>) dst(%dma_wait3A_60 : memref<8000xf32, #tpu.memory_space<vmem>>)
        tpu.yield
      }) : () -> ()
      %add3A_23 = arith.constant 1 : i32
      %add3A_24 = arith.addi %mul3A_2, %add3A_23 : i32
      %run_scoped3A_25 = arith.constant 1 : i32
      "tpu.region"() ({
        %run_scoped3A_44 = tpu.sem_alloc : memref<!tpu.dma_semaphore, #tpu.memory_space<semaphore_mem>>
        %dma_start3A = arith.constant 0 : i32
        %dma_start3A_45 = tpu.memref_slice %arg9[%run_scoped3A_25, %dma_start3A] : memref<4x8000xf32, #tpu.memory_space<vmem>> -> memref<1x8000xf32, #tpu.memory_space<vmem>>
        %dma_start3A_46 = tpu.memref_squeeze %dma_start3A_45 : memref<1x8000xf32, #tpu.memory_space<vmem>> -> memref<8000xf32, #tpu.memory_space<vmem>>
        %dma_start3A_47 = tpu.memref_slice %arg2[%add3A_24, %multiple_of3A] : memref<128x320000xf32, #tpu.memory_space<hbm>> -> memref<1x8000xf32, #tpu.memory_space<hbm>>
        %dma_start3A_48 = tpu.memref_squeeze %dma_start3A_47 : memref<1x8000xf32, #tpu.memory_space<hbm>> -> memref<8000xf32, #tpu.memory_space<hbm>>
        %dma_start3A_49 = arith.constant 0 : i32
        %dma_start3A_50 = tpu.memref_slice %arg9[%run_scoped3A_25, %dma_start3A_49] : memref<4x8000xf32, #tpu.memory_space<vmem>> -> memref<1x8000xf32, #tpu.memory_space<vmem>>
        %dma_start3A_51 = tpu.memref_squeeze %dma_start3A_50 : memref<1x8000xf32, #tpu.memory_space<vmem>> -> memref<8000xf32, #tpu.memory_space<vmem>>
        %dma_start3A_52 = tpu.memref_slice %arg2[%add3A_24, %multiple_of3A] : memref<128x320000xf32, #tpu.memory_space<hbm>> -> memref<1x8000xf32, #tpu.memory_space<hbm>>
        %dma_start3A_53 = tpu.memref_squeeze %dma_start3A_52 : memref<1x8000xf32, #tpu.memory_space<hbm>> -> memref<8000xf32, #tpu.memory_space<hbm>>
        tpu.enqueue_dma source(%dma_start3A_53 : memref<8000xf32, #tpu.memory_space<hbm>>) target(%dma_start3A_51 : memref<8000xf32, #tpu.memory_space<vmem>>) target_semaphore(%run_scoped3A_44 : memref<!tpu.dma_semaphore, #tpu.memory_space<semaphore_mem>>)
        %dma_wait3A = arith.constant 0 : i32
        %dma_wait3A_54 = tpu.memref_slice %arg9[%run_scoped3A_25, %dma_wait3A] : memref<4x8000xf32, #tpu.memory_space<vmem>> -> memref<1x8000xf32, #tpu.memory_space<vmem>>
        %dma_wait3A_55 = tpu.memref_squeeze %dma_wait3A_54 : memref<1x8000xf32, #tpu.memory_space<vmem>> -> memref<8000xf32, #tpu.memory_space<vmem>>
        %dma_wait3A_56 = tpu.memref_slice %arg2[%add3A_24, %multiple_of3A] : memref<128x320000xf32, #tpu.memory_space<hbm>> -> memref<1x8000xf32, #tpu.memory_space<hbm>>
        %dma_wait3A_57 = tpu.memref_squeeze %dma_wait3A_56 : memref<1x8000xf32, #tpu.memory_space<hbm>> -> memref<8000xf32, #tpu.memory_space<hbm>>
        %dma_wait3A_58 = arith.constant 0 : i32
        %dma_wait3A_59 = tpu.memref_slice %arg9[%run_scoped3A_25, %dma_wait3A_58] : memref<4x8000xf32, #tpu.memory_space<vmem>> -> memref<1x8000xf32, #tpu.memory_space<vmem>>
        %dma_wait3A_60 = tpu.memref_squeeze %dma_wait3A_59 : memref<1x8000xf32, #tpu.memory_space<vmem>> -> memref<8000xf32, #tpu.memory_space<vmem>>
        %dma_wait3A_61 = tpu.memref_slice %arg2[%add3A_24, %multiple_of3A] : memref<128x320000xf32, #tpu.memory_space<hbm>> -> memref<1x8000xf32, #tpu.memory_space<hbm>>
        %dma_wait3A_62 = tpu.memref_squeeze %dma_wait3A_61 : memref<1x8000xf32, #tpu.memory_space<hbm>> -> memref<8000xf32, #tpu.memory_space<hbm>>
        tpu.wait_dma2 semaphore(%run_scoped3A_44 : memref<!tpu.dma_semaphore, #tpu.memory_space<semaphore_mem>>) src(%dma_wait3A_62 : memref<8000xf32, #tpu.memory_space<hbm>>) dst(%dma_wait3A_60 : memref<8000xf32, #tpu.memory_space<vmem>>)
        tpu.yield
      }) : () -> ()
      %add3A_26 = arith.constant 2 : i32
      %add3A_27 = arith.addi %mul3A_2, %add3A_26 : i32
      %run_scoped3A_28 = arith.constant 2 : i32
      "tpu.region"() ({
        %run_scoped3A_44 = tpu.sem_alloc : memref<!tpu.dma_semaphore, #tpu.memory_space<semaphore_mem>>
        %dma_start3A = arith.constant 0 : i32
        %dma_start3A_45 = tpu.memref_slice %arg9[%run_scoped3A_28, %dma_start3A] : memref<4x8000xf32, #tpu.memory_space<vmem>> -> memref<1x8000xf32, #tpu.memory_space<vmem>>
        %dma_start3A_46 = tpu.memref_squeeze %dma_start3A_45 : memref<1x8000xf32, #tpu.memory_space<vmem>> -> memref<8000xf32, #tpu.memory_space<vmem>>
        %dma_start3A_47 = tpu.memref_slice %arg2[%add3A_27, %multiple_of3A] : memref<128x320000xf32, #tpu.memory_space<hbm>> -> memref<1x8000xf32, #tpu.memory_space<hbm>>
        %dma_start3A_48 = tpu.memref_squeeze %dma_start3A_47 : memref<1x8000xf32, #tpu.memory_space<hbm>> -> memref<8000xf32, #tpu.memory_space<hbm>>
        %dma_start3A_49 = arith.constant 0 : i32
        %dma_start3A_50 = tpu.memref_slice %arg9[%run_scoped3A_28, %dma_start3A_49] : memref<4x8000xf32, #tpu.memory_space<vmem>> -> memref<1x8000xf32, #tpu.memory_space<vmem>>
        %dma_start3A_51 = tpu.memref_squeeze %dma_start3A_50 : memref<1x8000xf32, #tpu.memory_space<vmem>> -> memref<8000xf32, #tpu.memory_space<vmem>>
        %dma_start3A_52 = tpu.memref_slice %arg2[%add3A_27, %multiple_of3A] : memref<128x320000xf32, #tpu.memory_space<hbm>> -> memref<1x8000xf32, #tpu.memory_space<hbm>>
        %dma_start3A_53 = tpu.memref_squeeze %dma_start3A_52 : memref<1x8000xf32, #tpu.memory_space<hbm>> -> memref<8000xf32, #tpu.memory_space<hbm>>
        tpu.enqueue_dma source(%dma_start3A_53 : memref<8000xf32, #tpu.memory_space<hbm>>) target(%dma_start3A_51 : memref<8000xf32, #tpu.memory_space<vmem>>) target_semaphore(%run_scoped3A_44 : memref<!tpu.dma_semaphore, #tpu.memory_space<semaphore_mem>>)
        %dma_wait3A = arith.constant 0 : i32
        %dma_wait3A_54 = tpu.memref_slice %arg9[%run_scoped3A_28, %dma_wait3A] : memref<4x8000xf32, #tpu.memory_space<vmem>> -> memref<1x8000xf32, #tpu.memory_space<vmem>>
        %dma_wait3A_55 = tpu.memref_squeeze %dma_wait3A_54 : memref<1x8000xf32, #tpu.memory_space<vmem>> -> memref<8000xf32, #tpu.memory_space<vmem>>
        %dma_wait3A_56 = tpu.memref_slice %arg2[%add3A_27, %multiple_of3A] : memref<128x320000xf32, #tpu.memory_space<hbm>> -> memref<1x8000xf32, #tpu.memory_space<hbm>>
        %dma_wait3A_57 = tpu.memref_squeeze %dma_wait3A_56 : memref<1x8000xf32, #tpu.memory_space<hbm>> -> memref<8000xf32, #tpu.memory_space<hbm>>
        %dma_wait3A_58 = arith.constant 0 : i32
        %dma_wait3A_59 = tpu.memref_slice %arg9[%run_scoped3A_28, %dma_wait3A_58] : memref<4x8000xf32, #tpu.memory_space<vmem>> -> memref<1x8000xf32, #tpu.memory_space<vmem>>
        %dma_wait3A_60 = tpu.memref_squeeze %dma_wait3A_59 : memref<1x8000xf32, #tpu.memory_space<vmem>> -> memref<8000xf32, #tpu.memory_space<vmem>>
        %dma_wait3A_61 = tpu.memref_slice %arg2[%add3A_27, %multiple_of3A] : memref<128x320000xf32, #tpu.memory_space<hbm>> -> memref<1x8000xf32, #tpu.memory_space<hbm>>
        %dma_wait3A_62 = tpu.memref_squeeze %dma_wait3A_61 : memref<1x8000xf32, #tpu.memory_space<hbm>> -> memref<8000xf32, #tpu.memory_space<hbm>>
        tpu.wait_dma2 semaphore(%run_scoped3A_44 : memref<!tpu.dma_semaphore, #tpu.memory_space<semaphore_mem>>) src(%dma_wait3A_62 : memref<8000xf32, #tpu.memory_space<hbm>>) dst(%dma_wait3A_60 : memref<8000xf32, #tpu.memory_space<vmem>>)
        tpu.yield
      }) : () -> ()
      %add3A_29 = arith.constant 3 : i32
      %add3A_30 = arith.addi %mul3A_2, %add3A_29 : i32
      %run_scoped3A_31 = arith.constant 3 : i32
      "tpu.region"() ({
        %run_scoped3A_44 = tpu.sem_alloc : memref<!tpu.dma_semaphore, #tpu.memory_space<semaphore_mem>>
        %dma_start3A = arith.constant 0 : i32
        %dma_start3A_45 = tpu.memref_slice %arg9[%run_scoped3A_31, %dma_start3A] : memref<4x8000xf32, #tpu.memory_space<vmem>> -> memref<1x8000xf32, #tpu.memory_space<vmem>>
        %dma_start3A_46 = tpu.memref_squeeze %dma_start3A_45 : memref<1x8000xf32, #tpu.memory_space<vmem>> -> memref<8000xf32, #tpu.memory_space<vmem>>
        %dma_start3A_47 = tpu.memref_slice %arg2[%add3A_30, %multiple_of3A] : memref<128x320000xf32, #tpu.memory_space<hbm>> -> memref<1x8000xf32, #tpu.memory_space<hbm>>
        %dma_start3A_48 = tpu.memref_squeeze %dma_start3A_47 : memref<1x8000xf32, #tpu.memory_space<hbm>> -> memref<8000xf32, #tpu.memory_space<hbm>>
        %dma_start3A_49 = arith.constant 0 : i32
        %dma_start3A_50 = tpu.memref_slice %arg9[%run_scoped3A_31, %dma_start3A_49] : memref<4x8000xf32, #tpu.memory_space<vmem>> -> memref<1x8000xf32, #tpu.memory_space<vmem>>
        %dma_start3A_51 = tpu.memref_squeeze %dma_start3A_50 : memref<1x8000xf32, #tpu.memory_space<vmem>> -> memref<8000xf32, #tpu.memory_space<vmem>>
        %dma_start3A_52 = tpu.memref_slice %arg2[%add3A_30, %multiple_of3A] : memref<128x320000xf32, #tpu.memory_space<hbm>> -> memref<1x8000xf32, #tpu.memory_space<hbm>>
        %dma_start3A_53 = tpu.memref_squeeze %dma_start3A_52 : memref<1x8000xf32, #tpu.memory_space<hbm>> -> memref<8000xf32, #tpu.memory_space<hbm>>
        tpu.enqueue_dma source(%dma_start3A_53 : memref<8000xf32, #tpu.memory_space<hbm>>) target(%dma_start3A_51 : memref<8000xf32, #tpu.memory_space<vmem>>) target_semaphore(%run_scoped3A_44 : memref<!tpu.dma_semaphore, #tpu.memory_space<semaphore_mem>>)
        %dma_wait3A = arith.constant 0 : i32
        %dma_wait3A_54 = tpu.memref_slice %arg9[%run_scoped3A_31, %dma_wait3A] : memref<4x8000xf32, #tpu.memory_space<vmem>> -> memref<1x8000xf32, #tpu.memory_space<vmem>>
        %dma_wait3A_55 = tpu.memref_squeeze %dma_wait3A_54 : memref<1x8000xf32, #tpu.memory_space<vmem>> -> memref<8000xf32, #tpu.memory_space<vmem>>
        %dma_wait3A_56 = tpu.memref_slice %arg2[%add3A_30, %multiple_of3A] : memref<128x320000xf32, #tpu.memory_space<hbm>> -> memref<1x8000xf32, #tpu.memory_space<hbm>>
        %dma_wait3A_57 = tpu.memref_squeeze %dma_wait3A_56 : memref<1x8000xf32, #tpu.memory_space<hbm>> -> memref<8000xf32, #tpu.memory_space<hbm>>
        %dma_wait3A_58 = arith.constant 0 : i32
        %dma_wait3A_59 = tpu.memref_slice %arg9[%run_scoped3A_31, %dma_wait3A_58] : memref<4x8000xf32, #tpu.memory_space<vmem>> -> memref<1x8000xf32, #tpu.memory_space<vmem>>
        %dma_wait3A_60 = tpu.memref_squeeze %dma_wait3A_59 : memref<1x8000xf32, #tpu.memory_space<vmem>> -> memref<8000xf32, #tpu.memory_space<vmem>>
        %dma_wait3A_61 = tpu.memref_slice %arg2[%add3A_30, %multiple_of3A] : memref<128x320000xf32, #tpu.memory_space<hbm>> -> memref<1x8000xf32, #tpu.memory_space<hbm>>
        %dma_wait3A_62 = tpu.memref_squeeze %dma_wait3A_61 : memref<1x8000xf32, #tpu.memory_space<hbm>> -> memref<8000xf32, #tpu.memory_space<hbm>>
        tpu.wait_dma2 semaphore(%run_scoped3A_44 : memref<!tpu.dma_semaphore, #tpu.memory_space<semaphore_mem>>) src(%dma_wait3A_62 : memref<8000xf32, #tpu.memory_space<hbm>>) dst(%dma_wait3A_60 : memref<8000xf32, #tpu.memory_space<vmem>>)
        tpu.yield
      }) : () -> ()
      %convert_element_type3A_32 = arith.extui %lt3A_3 : i1 to i32
      %cond3A_33 = arith.constant 0 : i32
      %cond3A_34 = arith.cmpi ne, %convert_element_type3A_32, %cond3A_33 : i32
      scf.if %cond3A_34 {
        "tpu.region"() ({
          %run_scoped3A_44 = tpu.sem_alloc : memref<!tpu.dma_semaphore, #tpu.memory_space<semaphore_mem>>
          %dma_start3A = tpu.memref_slice %arg3[%add3A, %multiple_of3A] : memref<8x320000xf32, #tpu.memory_space<hbm>> -> memref<1x8000xf32, #tpu.memory_space<hbm>>
          %dma_start3A_45 = tpu.memref_squeeze %dma_start3A : memref<1x8000xf32, #tpu.memory_space<hbm>> -> memref<8000xf32, #tpu.memory_space<hbm>>
          %dma_start3A_46 = tpu.memref_slice %arg3[%add3A, %multiple_of3A] : memref<8x320000xf32, #tpu.memory_space<hbm>> -> memref<1x8000xf32, #tpu.memory_space<hbm>>
          %dma_start3A_47 = tpu.memref_squeeze %dma_start3A_46 : memref<1x8000xf32, #tpu.memory_space<hbm>> -> memref<8000xf32, #tpu.memory_space<hbm>>
          tpu.enqueue_dma source(%dma_start3A_47 : memref<8000xf32, #tpu.memory_space<hbm>>) target(%arg10 : memref<8000xf32, #tpu.memory_space<vmem>>) target_semaphore(%run_scoped3A_44 : memref<!tpu.dma_semaphore, #tpu.memory_space<semaphore_mem>>)
          %dma_wait3A = tpu.memref_slice %arg3[%add3A, %multiple_of3A] : memref<8x320000xf32, #tpu.memory_space<hbm>> -> memref<1x8000xf32, #tpu.memory_space<hbm>>
          %dma_wait3A_48 = tpu.memref_squeeze %dma_wait3A : memref<1x8000xf32, #tpu.memory_space<hbm>> -> memref<8000xf32, #tpu.memory_space<hbm>>
          %dma_wait3A_49 = tpu.memref_slice %arg3[%add3A, %multiple_of3A] : memref<8x320000xf32, #tpu.memory_space<hbm>> -> memref<1x8000xf32, #tpu.memory_space<hbm>>
          %dma_wait3A_50 = tpu.memref_squeeze %dma_wait3A_49 : memref<1x8000xf32, #tpu.memory_space<hbm>> -> memref<8000xf32, #tpu.memory_space<hbm>>
          tpu.wait_dma2 semaphore(%run_scoped3A_44 : memref<!tpu.dma_semaphore, #tpu.memory_space<semaphore_mem>>) src(%dma_wait3A_50 : memref<8000xf32, #tpu.memory_space<hbm>>) dst(%arg10 : memref<8000xf32, #tpu.memory_space<vmem>>)
          tpu.yield
        }) : () -> ()
      } else {
      }
      %scan3A_35 = arith.constant 0 : i32
      %scan3A_36 = arith.constant 0 : i32
      %scan3A_37 = arith.constant 500 : i32
      %scan3A_38 = arith.addi %scan3A_36, %scan3A_37 : i32
      %scan3A_39 = arith.constant 4 : i32
      scf.for %scan3A_44 = %scan3A_36 to %scan3A_38 step %scan3A_39  : i32 {
        %mul3A_45 = arith.constant 16 : i32
        %mul3A_46 = arith.muli %scan3A_44, %mul3A_45 : i32
        %multiple_of3A_47 = tpu.assume_multiple %mul3A_46, 16 : i32
        %get3A = arith.index_cast %multiple_of3A_47 : i32 to index
        %get3A_48 = tpu.vector_load %arg8[%get3A] {strides = array<i32>} : memref<8000xi32, #tpu.memory_space<vmem>>, vector<16xi32>,
        %get3A_49 = arith.constant 0 : i32
        %get3A_50 = arith.index_cast %get3A_49 : i32 to index
        %get3A_51 = arith.index_cast %multiple_of3A_47 : i32 to index
        %get3A_52 = tpu.vector_load %arg9[%get3A_50, %get3A_51] {strides = array<i32>} : memref<4x8000xf32, #tpu.memory_space<vmem>>, vector<16xf32>,
        tpu.vector_store_idx %arg11[%get3A_48], %get3A_52 {add = true} : memref<10240xf32, #tpu.memory_space<vmem>>[vector<16xi32>], vector<16xf32>,
        %get3A_53 = arith.constant 1 : i32
        %get3A_54 = arith.index_cast %get3A_53 : i32 to index
        %get3A_55 = arith.index_cast %multiple_of3A_47 : i32 to index
        %get3A_56 = tpu.vector_load %arg9[%get3A_54, %get3A_55] {strides = array<i32>} : memref<4x8000xf32, #tpu.memory_space<vmem>>, vector<16xf32>,
        tpu.vector_store_idx %arg12[%get3A_48], %get3A_56 {add = true} : memref<10240xf32, #tpu.memory_space<vmem>>[vector<16xi32>], vector<16xf32>,
        %get3A_57 = arith.constant 2 : i32
        %get3A_58 = arith.index_cast %get3A_57 : i32 to index
        %get3A_59 = arith.index_cast %multiple_of3A_47 : i32 to index
        %get3A_60 = tpu.vector_load %arg9[%get3A_58, %get3A_59] {strides = array<i32>} : memref<4x8000xf32, #tpu.memory_space<vmem>>, vector<16xf32>,
        tpu.vector_store_idx %arg13[%get3A_48], %get3A_60 {add = true} : memref<10240xf32, #tpu.memory_space<vmem>>[vector<16xi32>], vector<16xf32>,
        %get3A_61 = arith.constant 3 : i32
        %get3A_62 = arith.index_cast %get3A_61 : i32 to index
        %get3A_63 = arith.index_cast %multiple_of3A_47 : i32 to index
        %get3A_64 = tpu.vector_load %arg9[%get3A_62, %get3A_63] {strides = array<i32>} : memref<4x8000xf32, #tpu.memory_space<vmem>>, vector<16xf32>,
        tpu.vector_store_idx %arg14[%get3A_48], %get3A_64 {add = true} : memref<10240xf32, #tpu.memory_space<vmem>>[vector<16xi32>], vector<16xf32>,
        %scan3A_65 = arith.constant 1 : i32
        %scan3A_66 = arith.addi %scan3A_44, %scan3A_65 : i32
        %mul3A_67 = arith.constant 16 : i32
        %mul3A_68 = arith.muli %scan3A_66, %mul3A_67 : i32
        %multiple_of3A_69 = tpu.assume_multiple %mul3A_68, 16 : i32
        %get3A_70 = arith.index_cast %multiple_of3A_69 : i32 to index
        %get3A_71 = tpu.vector_load %arg8[%get3A_70] {strides = array<i32>} : memref<8000xi32, #tpu.memory_space<vmem>>, vector<16xi32>,
        %get3A_72 = arith.constant 0 : i32
        %get3A_73 = arith.index_cast %get3A_72 : i32 to index
        %get3A_74 = arith.index_cast %multiple_of3A_69 : i32 to index
        %get3A_75 = tpu.vector_load %arg9[%get3A_73, %get3A_74] {strides = array<i32>} : memref<4x8000xf32, #tpu.memory_space<vmem>>, vector<16xf32>,
        tpu.vector_store_idx %arg11[%get3A_71], %get3A_75 {add = true} : memref<10240xf32, #tpu.memory_space<vmem>>[vector<16xi32>], vector<16xf32>,
        %get3A_76 = arith.constant 1 : i32
        %get3A_77 = arith.index_cast %get3A_76 : i32 to index
        %get3A_78 = arith.index_cast %multiple_of3A_69 : i32 to index
        %get3A_79 = tpu.vector_load %arg9[%get3A_77, %get3A_78] {strides = array<i32>} : memref<4x8000xf32, #tpu.memory_space<vmem>>, vector<16xf32>,
        tpu.vector_store_idx %arg12[%get3A_71], %get3A_79 {add = true} : memref<10240xf32, #tpu.memory_space<vmem>>[vector<16xi32>], vector<16xf32>,
        %get3A_80 = arith.constant 2 : i32
        %get3A_81 = arith.index_cast %get3A_80 : i32 to index
        %get3A_82 = arith.index_cast %multiple_of3A_69 : i32 to index
        %get3A_83 = tpu.vector_load %arg9[%get3A_81, %get3A_82] {strides = array<i32>} : memref<4x8000xf32, #tpu.memory_space<vmem>>, vector<16xf32>,
        tpu.vector_store_idx %arg13[%get3A_71], %get3A_83 {add = true} : memref<10240xf32, #tpu.memory_space<vmem>>[vector<16xi32>], vector<16xf32>,
        %get3A_84 = arith.constant 3 : i32
        %get3A_85 = arith.index_cast %get3A_84 : i32 to index
        %get3A_86 = arith.index_cast %multiple_of3A_69 : i32 to index
        %get3A_87 = tpu.vector_load %arg9[%get3A_85, %get3A_86] {strides = array<i32>} : memref<4x8000xf32, #tpu.memory_space<vmem>>, vector<16xf32>,
        tpu.vector_store_idx %arg14[%get3A_71], %get3A_87 {add = true} : memref<10240xf32, #tpu.memory_space<vmem>>[vector<16xi32>], vector<16xf32>,
        %scan3A_88 = arith.constant 2 : i32
        %scan3A_89 = arith.addi %scan3A_44, %scan3A_88 : i32
        %mul3A_90 = arith.constant 16 : i32
        %mul3A_91 = arith.muli %scan3A_89, %mul3A_90 : i32
        %multiple_of3A_92 = tpu.assume_multiple %mul3A_91, 16 : i32
        %get3A_93 = arith.index_cast %multiple_of3A_92 : i32 to index
        %get3A_94 = tpu.vector_load %arg8[%get3A_93] {strides = array<i32>} : memref<8000xi32, #tpu.memory_space<vmem>>, vector<16xi32>,
        %get3A_95 = arith.constant 0 : i32
        %get3A_96 = arith.index_cast %get3A_95 : i32 to index
        %get3A_97 = arith.index_cast %multiple_of3A_92 : i32 to index
        %get3A_98 = tpu.vector_load %arg9[%get3A_96, %get3A_97] {strides = array<i32>} : memref<4x8000xf32, #tpu.memory_space<vmem>>, vector<16xf32>,
        tpu.vector_store_idx %arg11[%get3A_94], %get3A_98 {add = true} : memref<10240xf32, #tpu.memory_space<vmem>>[vector<16xi32>], vector<16xf32>,
        %get3A_99 = arith.constant 1 : i32
        %get3A_100 = arith.index_cast %get3A_99 : i32 to index
        %get3A_101 = arith.index_cast %multiple_of3A_92 : i32 to index
        %get3A_102 = tpu.vector_load %arg9[%get3A_100, %get3A_101] {strides = array<i32>} : memref<4x8000xf32, #tpu.memory_space<vmem>>, vector<16xf32>,
        tpu.vector_store_idx %arg12[%get3A_94], %get3A_102 {add = true} : memref<10240xf32, #tpu.memory_space<vmem>>[vector<16xi32>], vector<16xf32>,
        %get3A_103 = arith.constant 2 : i32
        %get3A_104 = arith.index_cast %get3A_103 : i32 to index
        %get3A_105 = arith.index_cast %multiple_of3A_92 : i32 to index
        %get3A_106 = tpu.vector_load %arg9[%get3A_104, %get3A_105] {strides = array<i32>} : memref<4x8000xf32, #tpu.memory_space<vmem>>, vector<16xf32>,
        tpu.vector_store_idx %arg13[%get3A_94], %get3A_106 {add = true} : memref<10240xf32, #tpu.memory_space<vmem>>[vector<16xi32>], vector<16xf32>,
        %get3A_107 = arith.constant 3 : i32
        %get3A_108 = arith.index_cast %get3A_107 : i32 to index
        %get3A_109 = arith.index_cast %multiple_of3A_92 : i32 to index
        %get3A_110 = tpu.vector_load %arg9[%get3A_108, %get3A_109] {strides = array<i32>} : memref<4x8000xf32, #tpu.memory_space<vmem>>, vector<16xf32>,
        tpu.vector_store_idx %arg14[%get3A_94], %get3A_110 {add = true} : memref<10240xf32, #tpu.memory_space<vmem>>[vector<16xi32>], vector<16xf32>,
        %scan3A_111 = arith.constant 3 : i32
        %scan3A_112 = arith.addi %scan3A_44, %scan3A_111 : i32
        %mul3A_113 = arith.constant 16 : i32
        %mul3A_114 = arith.muli %scan3A_112, %mul3A_113 : i32
        %multiple_of3A_115 = tpu.assume_multiple %mul3A_114, 16 : i32
        %get3A_116 = arith.index_cast %multiple_of3A_115 : i32 to index
        %get3A_117 = tpu.vector_load %arg8[%get3A_116] {strides = array<i32>} : memref<8000xi32, #tpu.memory_space<vmem>>, vector<16xi32>,
        %get3A_118 = arith.constant 0 : i32
        %get3A_119 = arith.index_cast %get3A_118 : i32 to index
        %get3A_120 = arith.index_cast %multiple_of3A_115 : i32 to index
        %get3A_121 = tpu.vector_load %arg9[%get3A_119, %get3A_120] {strides = array<i32>} : memref<4x8000xf32, #tpu.memory_space<vmem>>, vector<16xf32>,
        tpu.vector_store_idx %arg11[%get3A_117], %get3A_121 {add = true} : memref<10240xf32, #tpu.memory_space<vmem>>[vector<16xi32>], vector<16xf32>,
        %get3A_122 = arith.constant 1 : i32
        %get3A_123 = arith.index_cast %get3A_122 : i32 to index
        %get3A_124 = arith.index_cast %multiple_of3A_115 : i32 to index
        %get3A_125 = tpu.vector_load %arg9[%get3A_123, %get3A_124] {strides = array<i32>} : memref<4x8000xf32, #tpu.memory_space<vmem>>, vector<16xf32>,
        tpu.vector_store_idx %arg12[%get3A_117], %get3A_125 {add = true} : memref<10240xf32, #tpu.memory_space<vmem>>[vector<16xi32>], vector<16xf32>,
        %get3A_126 = arith.constant 2 : i32
        %get3A_127 = arith.index_cast %get3A_126 : i32 to index
        %get3A_128 = arith.index_cast %multiple_of3A_115 : i32 to index
        %get3A_129 = tpu.vector_load %arg9[%get3A_127, %get3A_128] {strides = array<i32>} : memref<4x8000xf32, #tpu.memory_space<vmem>>, vector<16xf32>,
        tpu.vector_store_idx %arg13[%get3A_117], %get3A_129 {add = true} : memref<10240xf32, #tpu.memory_space<vmem>>[vector<16xi32>], vector<16xf32>,
        %get3A_130 = arith.constant 3 : i32
        %get3A_131 = arith.index_cast %get3A_130 : i32 to index
        %get3A_132 = arith.index_cast %multiple_of3A_115 : i32 to index
        %get3A_133 = tpu.vector_load %arg9[%get3A_131, %get3A_132] {strides = array<i32>} : memref<4x8000xf32, #tpu.memory_space<vmem>>, vector<16xf32>,
        tpu.vector_store_idx %arg14[%get3A_117], %get3A_133 {add = true} : memref<10240xf32, #tpu.memory_space<vmem>>[vector<16xi32>], vector<16xf32>,
      }
      %scan3A_40 = arith.constant 500 : i32
      %convert_element_type3A_41 = arith.extui %lt3A_3 : i1 to i32
      %cond3A_42 = arith.constant 0 : i32
      %cond3A_43 = arith.cmpi ne, %convert_element_type3A_41, %cond3A_42 : i32
      scf.if %cond3A_43 {
        %scan3A_44 = arith.constant 0 : i32
        %scan3A_45 = arith.constant 0 : i32
        %scan3A_46 = arith.constant 500 : i32
        %scan3A_47 = arith.addi %scan3A_45, %scan3A_46 : i32
        %scan3A_48 = arith.constant 4 : i32
        scf.for %scan3A_50 = %scan3A_45 to %scan3A_47 step %scan3A_48  : i32 {
          %mul3A_51 = arith.constant 16 : i32
          %mul3A_52 = arith.muli %scan3A_50, %mul3A_51 : i32
          %multiple_of3A_53 = tpu.assume_multiple %mul3A_52, 16 : i32
          %get3A = arith.index_cast %multiple_of3A_53 : i32 to index
          %get3A_54 = tpu.vector_load %arg8[%get3A] {strides = array<i32>} : memref<8000xi32, #tpu.memory_space<vmem>>, vector<16xi32>,
          %get3A_55 = arith.index_cast %multiple_of3A_53 : i32 to index
          %get3A_56 = tpu.vector_load %arg10[%get3A_55] {strides = array<i32>} : memref<8000xf32, #tpu.memory_space<vmem>>, vector<16xf32>,
          tpu.vector_store_idx %arg15[%get3A_54], %get3A_56 {add = true} : memref<10240xf32, #tpu.memory_space<vmem>>[vector<16xi32>], vector<16xf32>,
          %scan3A_57 = arith.constant 1 : i32
          %scan3A_58 = arith.addi %scan3A_50, %scan3A_57 : i32
          %mul3A_59 = arith.constant 16 : i32
          %mul3A_60 = arith.muli %scan3A_58, %mul3A_59 : i32
          %multiple_of3A_61 = tpu.assume_multiple %mul3A_60, 16 : i32
          %get3A_62 = arith.index_cast %multiple_of3A_61 : i32 to index
          %get3A_63 = tpu.vector_load %arg8[%get3A_62] {strides = array<i32>} : memref<8000xi32, #tpu.memory_space<vmem>>, vector<16xi32>,
          %get3A_64 = arith.index_cast %multiple_of3A_61 : i32 to index
          %get3A_65 = tpu.vector_load %arg10[%get3A_64] {strides = array<i32>} : memref<8000xf32, #tpu.memory_space<vmem>>, vector<16xf32>,
          tpu.vector_store_idx %arg15[%get3A_63], %get3A_65 {add = true} : memref<10240xf32, #tpu.memory_space<vmem>>[vector<16xi32>], vector<16xf32>,
          %scan3A_66 = arith.constant 2 : i32
          %scan3A_67 = arith.addi %scan3A_50, %scan3A_66 : i32
          %mul3A_68 = arith.constant 16 : i32
          %mul3A_69 = arith.muli %scan3A_67, %mul3A_68 : i32
          %multiple_of3A_70 = tpu.assume_multiple %mul3A_69, 16 : i32
          %get3A_71 = arith.index_cast %multiple_of3A_70 : i32 to index
          %get3A_72 = tpu.vector_load %arg8[%get3A_71] {strides = array<i32>} : memref<8000xi32, #tpu.memory_space<vmem>>, vector<16xi32>,
          %get3A_73 = arith.index_cast %multiple_of3A_70 : i32 to index
          %get3A_74 = tpu.vector_load %arg10[%get3A_73] {strides = array<i32>} : memref<8000xf32, #tpu.memory_space<vmem>>, vector<16xf32>,
          tpu.vector_store_idx %arg15[%get3A_72], %get3A_74 {add = true} : memref<10240xf32, #tpu.memory_space<vmem>>[vector<16xi32>], vector<16xf32>,
          %scan3A_75 = arith.constant 3 : i32
          %scan3A_76 = arith.addi %scan3A_50, %scan3A_75 : i32
          %mul3A_77 = arith.constant 16 : i32
          %mul3A_78 = arith.muli %scan3A_76, %mul3A_77 : i32
          %multiple_of3A_79 = tpu.assume_multiple %mul3A_78, 16 : i32
          %get3A_80 = arith.index_cast %multiple_of3A_79 : i32 to index
          %get3A_81 = tpu.vector_load %arg8[%get3A_80] {strides = array<i32>} : memref<8000xi32, #tpu.memory_space<vmem>>, vector<16xi32>,
          %get3A_82 = arith.index_cast %multiple_of3A_79 : i32 to index
          %get3A_83 = tpu.vector_load %arg10[%get3A_82] {strides = array<i32>} : memref<8000xf32, #tpu.memory_space<vmem>>, vector<16xf32>,
          tpu.vector_store_idx %arg15[%get3A_81], %get3A_83 {add = true} : memref<10240xf32, #tpu.memory_space<vmem>>[vector<16xi32>], vector<16xf32>,
        }
        %scan3A_49 = arith.constant 500 : i32
      } else {
      }
    }
    %scan3A_8 = arith.constant 40 : i32
    %add3A_9 = arith.constant 0 : i32
    %add3A_10 = arith.addi %mul3A_2, %add3A_9 : i32
    "tpu.region"() ({
      %run_scoped3A = tpu.sem_alloc : memref<!tpu.dma_semaphore, #tpu.memory_space<semaphore_mem>>
      %dma_start3A = arith.constant 0 : i32
      %dma_start3A_18 = tpu.memref_slice %arg6[%add3A_10, %dma_start3A] : memref<128x10240xf32, #tpu.memory_space<hbm>> -> memref<1x10240xf32, #tpu.memory_space<hbm>>
      %dma_start3A_19 = tpu.memref_squeeze %dma_start3A_18 : memref<1x10240xf32, #tpu.memory_space<hbm>> -> memref<10240xf32, #tpu.memory_space<hbm>>
      %dma_start3A_20 = arith.constant 0 : i32
      %dma_start3A_21 = tpu.memref_slice %arg6[%add3A_10, %dma_start3A_20] : memref<128x10240xf32, #tpu.memory_space<hbm>> -> memref<1x10240xf32, #tpu.memory_space<hbm>>
      %dma_start3A_22 = tpu.memref_squeeze %dma_start3A_21 : memref<1x10240xf32, #tpu.memory_space<hbm>> -> memref<10240xf32, #tpu.memory_space<hbm>>
      tpu.enqueue_dma source(%arg11 : memref<10240xf32, #tpu.memory_space<vmem>>) target(%dma_start3A_22 : memref<10240xf32, #tpu.memory_space<hbm>>) target_semaphore(%run_scoped3A : memref<!tpu.dma_semaphore, #tpu.memory_space<semaphore_mem>>)
      %dma_wait3A = arith.constant 0 : i32
      %dma_wait3A_23 = tpu.memref_slice %arg6[%add3A_10, %dma_wait3A] : memref<128x10240xf32, #tpu.memory_space<hbm>> -> memref<1x10240xf32, #tpu.memory_space<hbm>>
      %dma_wait3A_24 = tpu.memref_squeeze %dma_wait3A_23 : memref<1x10240xf32, #tpu.memory_space<hbm>> -> memref<10240xf32, #tpu.memory_space<hbm>>
      %dma_wait3A_25 = arith.constant 0 : i32
      %dma_wait3A_26 = tpu.memref_slice %arg6[%add3A_10, %dma_wait3A_25] : memref<128x10240xf32, #tpu.memory_space<hbm>> -> memref<1x10240xf32, #tpu.memory_space<hbm>>
      %dma_wait3A_27 = tpu.memref_squeeze %dma_wait3A_26 : memref<1x10240xf32, #tpu.memory_space<hbm>> -> memref<10240xf32, #tpu.memory_space<hbm>>
      tpu.wait_dma2 semaphore(%run_scoped3A : memref<!tpu.dma_semaphore, #tpu.memory_space<semaphore_mem>>) src(%arg11 : memref<10240xf32, #tpu.memory_space<vmem>>) dst(%dma_wait3A_27 : memref<10240xf32, #tpu.memory_space<hbm>>)
      tpu.yield
    }) : () -> ()
    %add3A_11 = arith.constant 1 : i32
    %add3A_12 = arith.addi %mul3A_2, %add3A_11 : i32
    "tpu.region"() ({
      %run_scoped3A = tpu.sem_alloc : memref<!tpu.dma_semaphore, #tpu.memory_space<semaphore_mem>>
      %dma_start3A = arith.constant 0 : i32
      %dma_start3A_18 = tpu.memref_slice %arg6[%add3A_12, %dma_start3A] : memref<128x10240xf32, #tpu.memory_space<hbm>> -> memref<1x10240xf32, #tpu.memory_space<hbm>>
      %dma_start3A_19 = tpu.memref_squeeze %dma_start3A_18 : memref<1x10240xf32, #tpu.memory_space<hbm>> -> memref<10240xf32, #tpu.memory_space<hbm>>
      %dma_start3A_20 = arith.constant 0 : i32
      %dma_start3A_21 = tpu.memref_slice %arg6[%add3A_12, %dma_start3A_20] : memref<128x10240xf32, #tpu.memory_space<hbm>> -> memref<1x10240xf32, #tpu.memory_space<hbm>>
      %dma_start3A_22 = tpu.memref_squeeze %dma_start3A_21 : memref<1x10240xf32, #tpu.memory_space<hbm>> -> memref<10240xf32, #tpu.memory_space<hbm>>
      tpu.enqueue_dma source(%arg12 : memref<10240xf32, #tpu.memory_space<vmem>>) target(%dma_start3A_22 : memref<10240xf32, #tpu.memory_space<hbm>>) target_semaphore(%run_scoped3A : memref<!tpu.dma_semaphore, #tpu.memory_space<semaphore_mem>>)
      %dma_wait3A = arith.constant 0 : i32
      %dma_wait3A_23 = tpu.memref_slice %arg6[%add3A_12, %dma_wait3A] : memref<128x10240xf32, #tpu.memory_space<hbm>> -> memref<1x10240xf32, #tpu.memory_space<hbm>>
      %dma_wait3A_24 = tpu.memref_squeeze %dma_wait3A_23 : memref<1x10240xf32, #tpu.memory_space<hbm>> -> memref<10240xf32, #tpu.memory_space<hbm>>
      %dma_wait3A_25 = arith.constant 0 : i32
      %dma_wait3A_26 = tpu.memref_slice %arg6[%add3A_12, %dma_wait3A_25] : memref<128x10240xf32, #tpu.memory_space<hbm>> -> memref<1x10240xf32, #tpu.memory_space<hbm>>
      %dma_wait3A_27 = tpu.memref_squeeze %dma_wait3A_26 : memref<1x10240xf32, #tpu.memory_space<hbm>> -> memref<10240xf32, #tpu.memory_space<hbm>>
      tpu.wait_dma2 semaphore(%run_scoped3A : memref<!tpu.dma_semaphore, #tpu.memory_space<semaphore_mem>>) src(%arg12 : memref<10240xf32, #tpu.memory_space<vmem>>) dst(%dma_wait3A_27 : memref<10240xf32, #tpu.memory_space<hbm>>)
      tpu.yield
    }) : () -> ()
    %add3A_13 = arith.constant 2 : i32
    %add3A_14 = arith.addi %mul3A_2, %add3A_13 : i32
    "tpu.region"() ({
      %run_scoped3A = tpu.sem_alloc : memref<!tpu.dma_semaphore, #tpu.memory_space<semaphore_mem>>
      %dma_start3A = arith.constant 0 : i32
      %dma_start3A_18 = tpu.memref_slice %arg6[%add3A_14, %dma_start3A] : memref<128x10240xf32, #tpu.memory_space<hbm>> -> memref<1x10240xf32, #tpu.memory_space<hbm>>
      %dma_start3A_19 = tpu.memref_squeeze %dma_start3A_18 : memref<1x10240xf32, #tpu.memory_space<hbm>> -> memref<10240xf32, #tpu.memory_space<hbm>>
      %dma_start3A_20 = arith.constant 0 : i32
      %dma_start3A_21 = tpu.memref_slice %arg6[%add3A_14, %dma_start3A_20] : memref<128x10240xf32, #tpu.memory_space<hbm>> -> memref<1x10240xf32, #tpu.memory_space<hbm>>
      %dma_start3A_22 = tpu.memref_squeeze %dma_start3A_21 : memref<1x10240xf32, #tpu.memory_space<hbm>> -> memref<10240xf32, #tpu.memory_space<hbm>>
      tpu.enqueue_dma source(%arg13 : memref<10240xf32, #tpu.memory_space<vmem>>) target(%dma_start3A_22 : memref<10240xf32, #tpu.memory_space<hbm>>) target_semaphore(%run_scoped3A : memref<!tpu.dma_semaphore, #tpu.memory_space<semaphore_mem>>)
      %dma_wait3A = arith.constant 0 : i32
      %dma_wait3A_23 = tpu.memref_slice %arg6[%add3A_14, %dma_wait3A] : memref<128x10240xf32, #tpu.memory_space<hbm>> -> memref<1x10240xf32, #tpu.memory_space<hbm>>
      %dma_wait3A_24 = tpu.memref_squeeze %dma_wait3A_23 : memref<1x10240xf32, #tpu.memory_space<hbm>> -> memref<10240xf32, #tpu.memory_space<hbm>>
      %dma_wait3A_25 = arith.constant 0 : i32
      %dma_wait3A_26 = tpu.memref_slice %arg6[%add3A_14, %dma_wait3A_25] : memref<128x10240xf32, #tpu.memory_space<hbm>> -> memref<1x10240xf32, #tpu.memory_space<hbm>>
      %dma_wait3A_27 = tpu.memref_squeeze %dma_wait3A_26 : memref<1x10240xf32, #tpu.memory_space<hbm>> -> memref<10240xf32, #tpu.memory_space<hbm>>
      tpu.wait_dma2 semaphore(%run_scoped3A : memref<!tpu.dma_semaphore, #tpu.memory_space<semaphore_mem>>) src(%arg13 : memref<10240xf32, #tpu.memory_space<vmem>>) dst(%dma_wait3A_27 : memref<10240xf32, #tpu.memory_space<hbm>>)
      tpu.yield
    }) : () -> ()
    %add3A_15 = arith.constant 3 : i32
    %add3A_16 = arith.addi %mul3A_2, %add3A_15 : i32
    "tpu.region"() ({
      %run_scoped3A = tpu.sem_alloc : memref<!tpu.dma_semaphore, #tpu.memory_space<semaphore_mem>>
      %dma_start3A = arith.constant 0 : i32
      %dma_start3A_18 = tpu.memref_slice %arg6[%add3A_16, %dma_start3A] : memref<128x10240xf32, #tpu.memory_space<hbm>> -> memref<1x10240xf32, #tpu.memory_space<hbm>>
      %dma_start3A_19 = tpu.memref_squeeze %dma_start3A_18 : memref<1x10240xf32, #tpu.memory_space<hbm>> -> memref<10240xf32, #tpu.memory_space<hbm>>
      %dma_start3A_20 = arith.constant 0 : i32
      %dma_start3A_21 = tpu.memref_slice %arg6[%add3A_16, %dma_start3A_20] : memref<128x10240xf32, #tpu.memory_space<hbm>> -> memref<1x10240xf32, #tpu.memory_space<hbm>>
      %dma_start3A_22 = tpu.memref_squeeze %dma_start3A_21 : memref<1x10240xf32, #tpu.memory_space<hbm>> -> memref<10240xf32, #tpu.memory_space<hbm>>
      tpu.enqueue_dma source(%arg14 : memref<10240xf32, #tpu.memory_space<vmem>>) target(%dma_start3A_22 : memref<10240xf32, #tpu.memory_space<hbm>>) target_semaphore(%run_scoped3A : memref<!tpu.dma_semaphore, #tpu.memory_space<semaphore_mem>>)
      %dma_wait3A = arith.constant 0 : i32
      %dma_wait3A_23 = tpu.memref_slice %arg6[%add3A_16, %dma_wait3A] : memref<128x10240xf32, #tpu.memory_space<hbm>> -> memref<1x10240xf32, #tpu.memory_space<hbm>>
      %dma_wait3A_24 = tpu.memref_squeeze %dma_wait3A_23 : memref<1x10240xf32, #tpu.memory_space<hbm>> -> memref<10240xf32, #tpu.memory_space<hbm>>
      %dma_wait3A_25 = arith.constant 0 : i32
      %dma_wait3A_26 = tpu.memref_slice %arg6[%add3A_16, %dma_wait3A_25] : memref<128x10240xf32, #tpu.memory_space<hbm>> -> memref<1x10240xf32, #tpu.memory_space<hbm>>
      %dma_wait3A_27 = tpu.memref_squeeze %dma_wait3A_26 : memref<1x10240xf32, #tpu.memory_space<hbm>> -> memref<10240xf32, #tpu.memory_space<hbm>>
      tpu.wait_dma2 semaphore(%run_scoped3A : memref<!tpu.dma_semaphore, #tpu.memory_space<semaphore_mem>>) src(%arg14 : memref<10240xf32, #tpu.memory_space<vmem>>) dst(%dma_wait3A_27 : memref<10240xf32, #tpu.memory_space<hbm>>)
      tpu.yield
    }) : () -> ()
    %convert_element_type3A = arith.extui %lt3A_3 : i1 to i32
    %cond3A = arith.constant 0 : i32
    %cond3A_17 = arith.cmpi ne, %convert_element_type3A, %cond3A : i32
    scf.if %cond3A_17 {
      "tpu.region"() ({
        %run_scoped3A = tpu.sem_alloc : memref<!tpu.dma_semaphore, #tpu.memory_space<semaphore_mem>>
        %dma_start3A = arith.constant 0 : i32
        %dma_start3A_18 = tpu.memref_slice %arg7[%add3A, %dma_start3A] : memref<8x10240xf32, #tpu.memory_space<hbm>> -> memref<1x10240xf32, #tpu.memory_space<hbm>>
        %dma_start3A_19 = tpu.memref_squeeze %dma_start3A_18 : memref<1x10240xf32, #tpu.memory_space<hbm>> -> memref<10240xf32, #tpu.memory_space<hbm>>
        %dma_start3A_20 = arith.constant 0 : i32
        %dma_start3A_21 = tpu.memref_slice %arg7[%add3A, %dma_start3A_20] : memref<8x10240xf32, #tpu.memory_space<hbm>> -> memref<1x10240xf32, #tpu.memory_space<hbm>>
        %dma_start3A_22 = tpu.memref_squeeze %dma_start3A_21 : memref<1x10240xf32, #tpu.memory_space<hbm>> -> memref<10240xf32, #tpu.memory_space<hbm>>
        tpu.enqueue_dma source(%arg15 : memref<10240xf32, #tpu.memory_space<vmem>>) target(%dma_start3A_22 : memref<10240xf32, #tpu.memory_space<hbm>>) target_semaphore(%run_scoped3A : memref<!tpu.dma_semaphore, #tpu.memory_space<semaphore_mem>>)
        %dma_wait3A = arith.constant 0 : i32
        %dma_wait3A_23 = tpu.memref_slice %arg7[%add3A, %dma_wait3A] : memref<8x10240xf32, #tpu.memory_space<hbm>> -> memref<1x10240xf32, #tpu.memory_space<hbm>>
        %dma_wait3A_24 = tpu.memref_squeeze %dma_wait3A_23 : memref<1x10240xf32, #tpu.memory_space<hbm>> -> memref<10240xf32, #tpu.memory_space<hbm>>
        %dma_wait3A_25 = arith.constant 0 : i32
        %dma_wait3A_26 = tpu.memref_slice %arg7[%add3A, %dma_wait3A_25] : memref<8x10240xf32, #tpu.memory_space<hbm>> -> memref<1x10240xf32, #tpu.memory_space<hbm>>
        %dma_wait3A_27 = tpu.memref_squeeze %dma_wait3A_26 : memref<1x10240xf32, #tpu.memory_space<hbm>> -> memref<10240xf32, #tpu.memory_space<hbm>>
        tpu.wait_dma2 semaphore(%run_scoped3A : memref<!tpu.dma_semaphore, #tpu.memory_space<semaphore_mem>>) src(%arg15 : memref<10240xf32, #tpu.memory_space<vmem>>) dst(%dma_wait3A_27 : memref<10240xf32, #tpu.memory_space<hbm>>)
        tpu.yield
      }) : () -> ()
    } else {
    }
    return
  }
}

#map = affine_map<(d0, d1) -> (0)>
#map1 = affine_map<(d0, d1) -> (0, 0)>
module attributes {stable_mosaic.version = 14 : i64} {
  func.func @_gather_body(%arg0: i32, %arg1: i32, %arg2: memref<320000xi32, #tpu.memory_space<hbm>>, %arg3: memref<320000xi32, #tpu.memory_space<hbm>>, %arg4: memref<10000x128xf32, #tpu.memory_space<hbm>>, %arg5: memref<10000x128xf32, #tpu.memory_space<hbm>>, %arg6: memref<10000x128xf32, #tpu.memory_space<hbm>>, %arg7: memref<320000x128xf32, #tpu.memory_space<hbm>>, %arg8: memref<320000x128xf32, #tpu.memory_space<hbm>>, %arg9: memref<320000x128xf32, #tpu.memory_space<hbm>>, %arg10: memref<2x128xi32, #tpu.memory_space<vmem>>, %arg11: memref<2x128xi32, #tpu.memory_space<vmem>>, %arg12: memref<16xi32, #tpu.memory_space<vmem>>, %arg13: memref<16xi32, #tpu.memory_space<vmem>>, %arg14: memref<2x128x128xf32, #tpu.memory_space<vmem>>, %arg15: memref<2x128x128xf32, #tpu.memory_space<vmem>>, %arg16: memref<2x128x128xf32, #tpu.memory_space<vmem>>, %arg17: memref<16x128xf32, #tpu.memory_space<vmem>>, %arg18: memref<16x128xf32, #tpu.memory_space<vmem>>, %arg19: memref<16x128xf32, #tpu.memory_space<vmem>>, %arg20: memref<!tpu.dma_semaphore, #tpu.memory_space<semaphore_mem>>, %arg21: memref<!tpu.dma_semaphore, #tpu.memory_space<semaphore_mem>>, %arg22: memref<!tpu.dma_semaphore, #tpu.memory_space<semaphore_mem>>) attributes {dimension_semantics = [#tpu.dimension_semantics<core_parallel>, #tpu.dimension_semantics<subcore_parallel>], iteration_bounds = array<i64: 2, 16>, scalar_prefetch = 0 : i64, scratch_operands = 13 : i64, tpu.core_type = #tpu.core_type<sc_vector_subcore>, window_params = [{transform_indices = #map}, {transform_indices = #map}, {transform_indices = #map1}, {transform_indices = #map1}, {transform_indices = #map1}, {transform_indices = #map1}, {transform_indices = #map1}, {transform_indices = #map1}]} {
    %mul3A = arith.constant 2 : i32
    %mul3A_0 = arith.muli %arg1, %mul3A : i32
    %add3A = arith.addi %mul3A_0, %arg0 : i32
    %mul3A_1 = arith.constant 10000 : i32
    %mul3A_2 = arith.muli %add3A, %mul3A_1 : i32
    %add3A_3 = arith.constant 0 : i32
    %add3A_4 = arith.addi %mul3A_2, %add3A_3 : i32
    %multiple_of3A = tpu.assume_multiple %add3A_4, 8 : i32
    %run_scoped3A = arith.constant 0 : i32
    "tpu.region"() ({
      %run_scoped3A_106 = tpu.sem_alloc : memref<!tpu.dma_semaphore, #tpu.memory_space<semaphore_mem>>
      %dma_start3A_107 = arith.constant 0 : i32
      %dma_start3A_108 = tpu.memref_slice %arg10[%run_scoped3A, %dma_start3A_107] : memref<2x128xi32, #tpu.memory_space<vmem>> -> memref<1x128xi32, #tpu.memory_space<vmem>>
      %dma_start3A_109 = tpu.memref_squeeze %dma_start3A_108 : memref<1x128xi32, #tpu.memory_space<vmem>> -> memref<128xi32, #tpu.memory_space<vmem>>
      %dma_start3A_110 = tpu.memref_slice %arg2[%multiple_of3A] : memref<320000xi32, #tpu.memory_space<hbm>> -> memref<128xi32, #tpu.memory_space<hbm>>
      %dma_start3A_111 = arith.constant 0 : i32
      %dma_start3A_112 = tpu.memref_slice %arg10[%run_scoped3A, %dma_start3A_111] : memref<2x128xi32, #tpu.memory_space<vmem>> -> memref<1x128xi32, #tpu.memory_space<vmem>>
      %dma_start3A_113 = tpu.memref_squeeze %dma_start3A_112 : memref<1x128xi32, #tpu.memory_space<vmem>> -> memref<128xi32, #tpu.memory_space<vmem>>
      %dma_start3A_114 = tpu.memref_slice %arg2[%multiple_of3A] : memref<320000xi32, #tpu.memory_space<hbm>> -> memref<128xi32, #tpu.memory_space<hbm>>
      tpu.enqueue_dma source(%dma_start3A_114 : memref<128xi32, #tpu.memory_space<hbm>>) target(%dma_start3A_113 : memref<128xi32, #tpu.memory_space<vmem>>) target_semaphore(%run_scoped3A_106 : memref<!tpu.dma_semaphore, #tpu.memory_space<semaphore_mem>>)
      %dma_wait3A_115 = arith.constant 0 : i32
      %dma_wait3A_116 = tpu.memref_slice %arg10[%run_scoped3A, %dma_wait3A_115] : memref<2x128xi32, #tpu.memory_space<vmem>> -> memref<1x128xi32, #tpu.memory_space<vmem>>
      %dma_wait3A_117 = tpu.memref_squeeze %dma_wait3A_116 : memref<1x128xi32, #tpu.memory_space<vmem>> -> memref<128xi32, #tpu.memory_space<vmem>>
      %dma_wait3A_118 = tpu.memref_slice %arg2[%multiple_of3A] : memref<320000xi32, #tpu.memory_space<hbm>> -> memref<128xi32, #tpu.memory_space<hbm>>
      %dma_wait3A_119 = arith.constant 0 : i32
      %dma_wait3A_120 = tpu.memref_slice %arg10[%run_scoped3A, %dma_wait3A_119] : memref<2x128xi32, #tpu.memory_space<vmem>> -> memref<1x128xi32, #tpu.memory_space<vmem>>
      %dma_wait3A_121 = tpu.memref_squeeze %dma_wait3A_120 : memref<1x128xi32, #tpu.memory_space<vmem>> -> memref<128xi32, #tpu.memory_space<vmem>>
      %dma_wait3A_122 = tpu.memref_slice %arg2[%multiple_of3A] : memref<320000xi32, #tpu.memory_space<hbm>> -> memref<128xi32, #tpu.memory_space<hbm>>
      tpu.wait_dma2 semaphore(%run_scoped3A_106 : memref<!tpu.dma_semaphore, #tpu.memory_space<semaphore_mem>>) src(%dma_wait3A_122 : memref<128xi32, #tpu.memory_space<hbm>>) dst(%dma_wait3A_121 : memref<128xi32, #tpu.memory_space<vmem>>)
      tpu.yield
    }) : () -> ()
    %run_scoped3A_5 = arith.constant 0 : i32
    "tpu.region"() ({
      %run_scoped3A_106 = tpu.sem_alloc : memref<!tpu.dma_semaphore, #tpu.memory_space<semaphore_mem>>
      %dma_start3A_107 = arith.constant 0 : i32
      %dma_start3A_108 = tpu.memref_slice %arg11[%run_scoped3A_5, %dma_start3A_107] : memref<2x128xi32, #tpu.memory_space<vmem>> -> memref<1x128xi32, #tpu.memory_space<vmem>>
      %dma_start3A_109 = tpu.memref_squeeze %dma_start3A_108 : memref<1x128xi32, #tpu.memory_space<vmem>> -> memref<128xi32, #tpu.memory_space<vmem>>
      %dma_start3A_110 = tpu.memref_slice %arg3[%multiple_of3A] : memref<320000xi32, #tpu.memory_space<hbm>> -> memref<128xi32, #tpu.memory_space<hbm>>
      %dma_start3A_111 = arith.constant 0 : i32
      %dma_start3A_112 = tpu.memref_slice %arg11[%run_scoped3A_5, %dma_start3A_111] : memref<2x128xi32, #tpu.memory_space<vmem>> -> memref<1x128xi32, #tpu.memory_space<vmem>>
      %dma_start3A_113 = tpu.memref_squeeze %dma_start3A_112 : memref<1x128xi32, #tpu.memory_space<vmem>> -> memref<128xi32, #tpu.memory_space<vmem>>
      %dma_start3A_114 = tpu.memref_slice %arg3[%multiple_of3A] : memref<320000xi32, #tpu.memory_space<hbm>> -> memref<128xi32, #tpu.memory_space<hbm>>
      tpu.enqueue_dma source(%dma_start3A_114 : memref<128xi32, #tpu.memory_space<hbm>>) target(%dma_start3A_113 : memref<128xi32, #tpu.memory_space<vmem>>) target_semaphore(%run_scoped3A_106 : memref<!tpu.dma_semaphore, #tpu.memory_space<semaphore_mem>>)
      %dma_wait3A_115 = arith.constant 0 : i32
      %dma_wait3A_116 = tpu.memref_slice %arg11[%run_scoped3A_5, %dma_wait3A_115] : memref<2x128xi32, #tpu.memory_space<vmem>> -> memref<1x128xi32, #tpu.memory_space<vmem>>
      %dma_wait3A_117 = tpu.memref_squeeze %dma_wait3A_116 : memref<1x128xi32, #tpu.memory_space<vmem>> -> memref<128xi32, #tpu.memory_space<vmem>>
      %dma_wait3A_118 = tpu.memref_slice %arg3[%multiple_of3A] : memref<320000xi32, #tpu.memory_space<hbm>> -> memref<128xi32, #tpu.memory_space<hbm>>
      %dma_wait3A_119 = arith.constant 0 : i32
      %dma_wait3A_120 = tpu.memref_slice %arg11[%run_scoped3A_5, %dma_wait3A_119] : memref<2x128xi32, #tpu.memory_space<vmem>> -> memref<1x128xi32, #tpu.memory_space<vmem>>
      %dma_wait3A_121 = tpu.memref_squeeze %dma_wait3A_120 : memref<1x128xi32, #tpu.memory_space<vmem>> -> memref<128xi32, #tpu.memory_space<vmem>>
      %dma_wait3A_122 = tpu.memref_slice %arg3[%multiple_of3A] : memref<320000xi32, #tpu.memory_space<hbm>> -> memref<128xi32, #tpu.memory_space<hbm>>
      tpu.wait_dma2 semaphore(%run_scoped3A_106 : memref<!tpu.dma_semaphore, #tpu.memory_space<semaphore_mem>>) src(%dma_wait3A_122 : memref<128xi32, #tpu.memory_space<hbm>>) dst(%dma_wait3A_121 : memref<128xi32, #tpu.memory_space<vmem>>)
      tpu.yield
    }) : () -> ()
    %dma_start3A = arith.constant 0 : i32
    %dma_start3A_6 = arith.constant 0 : i32
    %dma_start3A_7 = arith.constant 0 : i32
    %dma_start3A_8 = arith.constant 0 : i32
    %dma_start3A_9 = tpu.memref_slice %arg14[%dma_start3A_6, %dma_start3A_7, %dma_start3A_8] : memref<2x128x128xf32, #tpu.memory_space<vmem>> -> memref<1x128x128xf32, #tpu.memory_space<vmem>>
    %dma_start3A_10 = tpu.memref_squeeze %dma_start3A_9 : memref<1x128x128xf32, #tpu.memory_space<vmem>> -> memref<128x128xf32, #tpu.memory_space<vmem>>
    %dma_start3A_11 = arith.constant 0 : i32
    %dma_start3A_12 = tpu.memref_slice %arg11[%dma_start3A, %dma_start3A_11] : memref<2x128xi32, #tpu.memory_space<vmem>> -> memref<1x128xi32, #tpu.memory_space<vmem>>
    %dma_start3A_13 = tpu.memref_squeeze %dma_start3A_12 : memref<1x128xi32, #tpu.memory_space<vmem>> -> memref<128xi32, #tpu.memory_space<vmem>>
    %dma_start3A_14 = arith.constant 0 : i32
    %dma_start3A_15 = arith.constant 0 : i32
    %dma_start3A_16 = tpu.memref_slice %arg4[%dma_start3A_14, %dma_start3A_15] : memref<10000x128xf32, #tpu.memory_space<hbm>> -> memref<10000x128xf32, #tpu.memory_space<hbm>>
    tpu.enqueue_indirect_dma source(%dma_start3A_16 : memref<10000x128xf32, #tpu.memory_space<hbm>>) target(%dma_start3A_10 : memref<128x128xf32, #tpu.memory_space<vmem>>) offsets(%dma_start3A_13 : memref<128xi32, #tpu.memory_space<vmem>>) semaphore(%arg20 : memref<!tpu.dma_semaphore, #tpu.memory_space<semaphore_mem>>)
    %dma_start3A_17 = arith.constant 0 : i32
    %dma_start3A_18 = arith.constant 0 : i32
    %dma_start3A_19 = arith.constant 0 : i32
    %dma_start3A_20 = arith.constant 0 : i32
    %dma_start3A_21 = tpu.memref_slice %arg15[%dma_start3A_18, %dma_start3A_19, %dma_start3A_20] : memref<2x128x128xf32, #tpu.memory_space<vmem>> -> memref<1x128x128xf32, #tpu.memory_space<vmem>>
    %dma_start3A_22 = tpu.memref_squeeze %dma_start3A_21 : memref<1x128x128xf32, #tpu.memory_space<vmem>> -> memref<128x128xf32, #tpu.memory_space<vmem>>
    %dma_start3A_23 = arith.constant 0 : i32
    %dma_start3A_24 = tpu.memref_slice %arg10[%dma_start3A_17, %dma_start3A_23] : memref<2x128xi32, #tpu.memory_space<vmem>> -> memref<1x128xi32, #tpu.memory_space<vmem>>
    %dma_start3A_25 = tpu.memref_squeeze %dma_start3A_24 : memref<1x128xi32, #tpu.memory_space<vmem>> -> memref<128xi32, #tpu.memory_space<vmem>>
    %dma_start3A_26 = arith.constant 0 : i32
    %dma_start3A_27 = arith.constant 0 : i32
    %dma_start3A_28 = tpu.memref_slice %arg5[%dma_start3A_26, %dma_start3A_27] : memref<10000x128xf32, #tpu.memory_space<hbm>> -> memref<10000x128xf32, #tpu.memory_space<hbm>>
    tpu.enqueue_indirect_dma source(%dma_start3A_28 : memref<10000x128xf32, #tpu.memory_space<hbm>>) target(%dma_start3A_22 : memref<128x128xf32, #tpu.memory_space<vmem>>) offsets(%dma_start3A_25 : memref<128xi32, #tpu.memory_space<vmem>>) semaphore(%arg20 : memref<!tpu.dma_semaphore, #tpu.memory_space<semaphore_mem>>)
    %dma_start3A_29 = arith.constant 0 : i32
    %dma_start3A_30 = arith.constant 0 : i32
    %dma_start3A_31 = arith.constant 0 : i32
    %dma_start3A_32 = arith.constant 0 : i32
    %dma_start3A_33 = tpu.memref_slice %arg16[%dma_start3A_30, %dma_start3A_31, %dma_start3A_32] : memref<2x128x128xf32, #tpu.memory_space<vmem>> -> memref<1x128x128xf32, #tpu.memory_space<vmem>>
    %dma_start3A_34 = tpu.memref_squeeze %dma_start3A_33 : memref<1x128x128xf32, #tpu.memory_space<vmem>> -> memref<128x128xf32, #tpu.memory_space<vmem>>
    %dma_start3A_35 = arith.constant 0 : i32
    %dma_start3A_36 = tpu.memref_slice %arg10[%dma_start3A_29, %dma_start3A_35] : memref<2x128xi32, #tpu.memory_space<vmem>> -> memref<1x128xi32, #tpu.memory_space<vmem>>
    %dma_start3A_37 = tpu.memref_squeeze %dma_start3A_36 : memref<1x128xi32, #tpu.memory_space<vmem>> -> memref<128xi32, #tpu.memory_space<vmem>>
    %dma_start3A_38 = arith.constant 0 : i32
    %dma_start3A_39 = arith.constant 0 : i32
    %dma_start3A_40 = tpu.memref_slice %arg6[%dma_start3A_38, %dma_start3A_39] : memref<10000x128xf32, #tpu.memory_space<hbm>> -> memref<10000x128xf32, #tpu.memory_space<hbm>>
    tpu.enqueue_indirect_dma source(%dma_start3A_40 : memref<10000x128xf32, #tpu.memory_space<hbm>>) target(%dma_start3A_34 : memref<128x128xf32, #tpu.memory_space<vmem>>) offsets(%dma_start3A_37 : memref<128xi32, #tpu.memory_space<vmem>>) semaphore(%arg20 : memref<!tpu.dma_semaphore, #tpu.memory_space<semaphore_mem>>)
    %scan3A = arith.constant 0 : i32
    %scan3A_41 = arith.constant 0 : i32
    %scan3A_42 = arith.constant 78 : i32
    %scan3A_43 = arith.addi %scan3A_41, %scan3A_42 : i32
    %scan3A_44 = arith.constant 1 : i32
    scf.for %scan3A_106 = %scan3A_41 to %scan3A_43 step %scan3A_44  : i32 {
      %rem3A = arith.constant 2 : i32
      %rem3A_107 = arith.remsi %scan3A_106, %rem3A : i32
      %mul3A_108 = arith.constant 128 : i32
      %mul3A_109 = arith.muli %scan3A_106, %mul3A_108 : i32
      %add3A_110 = arith.addi %mul3A_2, %mul3A_109 : i32
      %multiple_of3A_111 = tpu.assume_multiple %add3A_110, 8 : i32
      %gt3A = arith.constant 0 : i32
      %gt3A_112 = arith.cmpi sgt, %scan3A_106, %gt3A : i32
      %convert_element_type3A = arith.extui %gt3A_112 : i1 to i32
      %cond3A = arith.constant 0 : i32
      %cond3A_113 = arith.cmpi ne, %convert_element_type3A, %cond3A : i32
      scf.if %cond3A_113 {
        %sub3A = arith.constant 128 : i32
        %sub3A_186 = arith.subi %multiple_of3A_111, %sub3A : i32
        %multiple_of3A_187 = tpu.assume_multiple %sub3A_186, 8 : i32
        %sub3A_188 = arith.constant 1 : i32
        %sub3A_189 = arith.subi %sub3A_188, %rem3A_107 : i32
        %dma_wait3A_190 = arith.constant 0 : i32
        %dma_wait3A_191 = arith.constant 0 : i32
        %dma_wait3A_192 = tpu.memref_slice %arg14[%sub3A_189, %dma_wait3A_190, %dma_wait3A_191] : memref<2x128x128xf32, #tpu.memory_space<vmem>> -> memref<1x128x128xf32, #tpu.memory_space<vmem>>
        %dma_wait3A_193 = tpu.memref_squeeze %dma_wait3A_192 : memref<1x128x128xf32, #tpu.memory_space<vmem>> -> memref<128x128xf32, #tpu.memory_space<vmem>>
        %dma_wait3A_194 = arith.constant 0 : i32
        %dma_wait3A_195 = tpu.memref_slice %arg7[%multiple_of3A_187, %dma_wait3A_194] : memref<320000x128xf32, #tpu.memory_space<hbm>> -> memref<128x128xf32, #tpu.memory_space<hbm>>
        %dma_wait3A_196 = arith.constant 0 : i32
        %dma_wait3A_197 = tpu.memref_slice %arg7[%multiple_of3A_187, %dma_wait3A_196] : memref<320000x128xf32, #tpu.memory_space<hbm>> -> memref<128x128xf32, #tpu.memory_space<hbm>>
        %dma_wait3A_198 = arith.constant 0 : i32
        %dma_wait3A_199 = arith.constant 0 : i32
        %dma_wait3A_200 = tpu.memref_slice %arg14[%sub3A_189, %dma_wait3A_198, %dma_wait3A_199] : memref<2x128x128xf32, #tpu.memory_space<vmem>> -> memref<1x128x128xf32, #tpu.memory_space<vmem>>
        %dma_wait3A_201 = tpu.memref_squeeze %dma_wait3A_200 : memref<1x128x128xf32, #tpu.memory_space<vmem>> -> memref<128x128xf32, #tpu.memory_space<vmem>>
        tpu.wait_dma2 semaphore(%arg21 : memref<!tpu.dma_semaphore, #tpu.memory_space<semaphore_mem>>) src(%dma_wait3A_201 : memref<128x128xf32, #tpu.memory_space<vmem>>) dst(%dma_wait3A_197 : memref<128x128xf32, #tpu.memory_space<hbm>>)
        %sub3A_202 = arith.constant 1 : i32
        %sub3A_203 = arith.subi %sub3A_202, %rem3A_107 : i32
        %dma_wait3A_204 = arith.constant 0 : i32
        %dma_wait3A_205 = arith.constant 0 : i32
        %dma_wait3A_206 = tpu.memref_slice %arg15[%sub3A_203, %dma_wait3A_204, %dma_wait3A_205] : memref<2x128x128xf32, #tpu.memory_space<vmem>> -> memref<1x128x128xf32, #tpu.memory_space<vmem>>
        %dma_wait3A_207 = tpu.memref_squeeze %dma_wait3A_206 : memref<1x128x128xf32, #tpu.memory_space<vmem>> -> memref<128x128xf32, #tpu.memory_space<vmem>>
        %dma_wait3A_208 = arith.constant 0 : i32
        %dma_wait3A_209 = tpu.memref_slice %arg8[%multiple_of3A_187, %dma_wait3A_208] : memref<320000x128xf32, #tpu.memory_space<hbm>> -> memref<128x128xf32, #tpu.memory_space<hbm>>
        %dma_wait3A_210 = arith.constant 0 : i32
        %dma_wait3A_211 = tpu.memref_slice %arg8[%multiple_of3A_187, %dma_wait3A_210] : memref<320000x128xf32, #tpu.memory_space<hbm>> -> memref<128x128xf32, #tpu.memory_space<hbm>>
        %dma_wait3A_212 = arith.constant 0 : i32
        %dma_wait3A_213 = arith.constant 0 : i32
        %dma_wait3A_214 = tpu.memref_slice %arg15[%sub3A_203, %dma_wait3A_212, %dma_wait3A_213] : memref<2x128x128xf32, #tpu.memory_space<vmem>> -> memref<1x128x128xf32, #tpu.memory_space<vmem>>
        %dma_wait3A_215 = tpu.memref_squeeze %dma_wait3A_214 : memref<1x128x128xf32, #tpu.memory_space<vmem>> -> memref<128x128xf32, #tpu.memory_space<vmem>>
        tpu.wait_dma2 semaphore(%arg21 : memref<!tpu.dma_semaphore, #tpu.memory_space<semaphore_mem>>) src(%dma_wait3A_215 : memref<128x128xf32, #tpu.memory_space<vmem>>) dst(%dma_wait3A_211 : memref<128x128xf32, #tpu.memory_space<hbm>>)
        %sub3A_216 = arith.constant 1 : i32
        %sub3A_217 = arith.subi %sub3A_216, %rem3A_107 : i32
        %dma_wait3A_218 = arith.constant 0 : i32
        %dma_wait3A_219 = arith.constant 0 : i32
        %dma_wait3A_220 = tpu.memref_slice %arg16[%sub3A_217, %dma_wait3A_218, %dma_wait3A_219] : memref<2x128x128xf32, #tpu.memory_space<vmem>> -> memref<1x128x128xf32, #tpu.memory_space<vmem>>
        %dma_wait3A_221 = tpu.memref_squeeze %dma_wait3A_220 : memref<1x128x128xf32, #tpu.memory_space<vmem>> -> memref<128x128xf32, #tpu.memory_space<vmem>>
        %dma_wait3A_222 = arith.constant 0 : i32
        %dma_wait3A_223 = tpu.memref_slice %arg9[%multiple_of3A_187, %dma_wait3A_222] : memref<320000x128xf32, #tpu.memory_space<hbm>> -> memref<128x128xf32, #tpu.memory_space<hbm>>
        %dma_wait3A_224 = arith.constant 0 : i32
        %dma_wait3A_225 = tpu.memref_slice %arg9[%multiple_of3A_187, %dma_wait3A_224] : memref<320000x128xf32, #tpu.memory_space<hbm>> -> memref<128x128xf32, #tpu.memory_space<hbm>>
        %dma_wait3A_226 = arith.constant 0 : i32
        %dma_wait3A_227 = arith.constant 0 : i32
        %dma_wait3A_228 = tpu.memref_slice %arg16[%sub3A_217, %dma_wait3A_226, %dma_wait3A_227] : memref<2x128x128xf32, #tpu.memory_space<vmem>> -> memref<1x128x128xf32, #tpu.memory_space<vmem>>
        %dma_wait3A_229 = tpu.memref_squeeze %dma_wait3A_228 : memref<1x128x128xf32, #tpu.memory_space<vmem>> -> memref<128x128xf32, #tpu.memory_space<vmem>>
        tpu.wait_dma2 semaphore(%arg21 : memref<!tpu.dma_semaphore, #tpu.memory_space<semaphore_mem>>) src(%dma_wait3A_229 : memref<128x128xf32, #tpu.memory_space<vmem>>) dst(%dma_wait3A_225 : memref<128x128xf32, #tpu.memory_space<hbm>>)
      } else {
      }
      %dma_wait3A_114 = arith.constant 0 : i32
      %dma_wait3A_115 = arith.constant 0 : i32
      %dma_wait3A_116 = tpu.memref_slice %arg14[%rem3A_107, %dma_wait3A_114, %dma_wait3A_115] : memref<2x128x128xf32, #tpu.memory_space<vmem>> -> memref<1x128x128xf32, #tpu.memory_space<vmem>>
      %dma_wait3A_117 = tpu.memref_squeeze %dma_wait3A_116 : memref<1x128x128xf32, #tpu.memory_space<vmem>> -> memref<128x128xf32, #tpu.memory_space<vmem>>
      %dma_wait3A_118 = arith.constant 0 : i32
      %dma_wait3A_119 = tpu.memref_slice %arg11[%rem3A_107, %dma_wait3A_118] : memref<2x128xi32, #tpu.memory_space<vmem>> -> memref<1x128xi32, #tpu.memory_space<vmem>>
      %dma_wait3A_120 = tpu.memref_squeeze %dma_wait3A_119 : memref<1x128xi32, #tpu.memory_space<vmem>> -> memref<128xi32, #tpu.memory_space<vmem>>
      %dma_wait3A_121 = arith.constant 0 : i32
      %dma_wait3A_122 = arith.constant 0 : i32
      %dma_wait3A_123 = tpu.memref_slice %arg4[%dma_wait3A_121, %dma_wait3A_122] : memref<10000x128xf32, #tpu.memory_space<hbm>> -> memref<10000x128xf32, #tpu.memory_space<hbm>>
      tpu.wait_indirect_dma semaphore(%arg20 : memref<!tpu.dma_semaphore, #tpu.memory_space<semaphore_mem>>) src(%dma_wait3A_123 : memref<10000x128xf32, #tpu.memory_space<hbm>>) dst(%dma_wait3A_117 : memref<128x128xf32, #tpu.memory_space<vmem>>)
      %dma_wait3A_124 = arith.constant 0 : i32
      %dma_wait3A_125 = arith.constant 0 : i32
      %dma_wait3A_126 = tpu.memref_slice %arg15[%rem3A_107, %dma_wait3A_124, %dma_wait3A_125] : memref<2x128x128xf32, #tpu.memory_space<vmem>> -> memref<1x128x128xf32, #tpu.memory_space<vmem>>
      %dma_wait3A_127 = tpu.memref_squeeze %dma_wait3A_126 : memref<1x128x128xf32, #tpu.memory_space<vmem>> -> memref<128x128xf32, #tpu.memory_space<vmem>>
      %dma_wait3A_128 = arith.constant 0 : i32
      %dma_wait3A_129 = tpu.memref_slice %arg10[%rem3A_107, %dma_wait3A_128] : memref<2x128xi32, #tpu.memory_space<vmem>> -> memref<1x128xi32, #tpu.memory_space<vmem>>
      %dma_wait3A_130 = tpu.memref_squeeze %dma_wait3A_129 : memref<1x128xi32, #tpu.memory_space<vmem>> -> memref<128xi32, #tpu.memory_space<vmem>>
      %dma_wait3A_131 = arith.constant 0 : i32
      %dma_wait3A_132 = arith.constant 0 : i32
      %dma_wait3A_133 = tpu.memref_slice %arg5[%dma_wait3A_131, %dma_wait3A_132] : memref<10000x128xf32, #tpu.memory_space<hbm>> -> memref<10000x128xf32, #tpu.memory_space<hbm>>
      tpu.wait_indirect_dma semaphore(%arg20 : memref<!tpu.dma_semaphore, #tpu.memory_space<semaphore_mem>>) src(%dma_wait3A_133 : memref<10000x128xf32, #tpu.memory_space<hbm>>) dst(%dma_wait3A_127 : memref<128x128xf32, #tpu.memory_space<vmem>>)
      %dma_wait3A_134 = arith.constant 0 : i32
      %dma_wait3A_135 = arith.constant 0 : i32
      %dma_wait3A_136 = tpu.memref_slice %arg16[%rem3A_107, %dma_wait3A_134, %dma_wait3A_135] : memref<2x128x128xf32, #tpu.memory_space<vmem>> -> memref<1x128x128xf32, #tpu.memory_space<vmem>>
      %dma_wait3A_137 = tpu.memref_squeeze %dma_wait3A_136 : memref<1x128x128xf32, #tpu.memory_space<vmem>> -> memref<128x128xf32, #tpu.memory_space<vmem>>
      %dma_wait3A_138 = arith.constant 0 : i32
      %dma_wait3A_139 = tpu.memref_slice %arg10[%rem3A_107, %dma_wait3A_138] : memref<2x128xi32, #tpu.memory_space<vmem>> -> memref<1x128xi32, #tpu.memory_space<vmem>>
      %dma_wait3A_140 = tpu.memref_squeeze %dma_wait3A_139 : memref<1x128xi32, #tpu.memory_space<vmem>> -> memref<128xi32, #tpu.memory_space<vmem>>
      %dma_wait3A_141 = arith.constant 0 : i32
      %dma_wait3A_142 = arith.constant 0 : i32
      %dma_wait3A_143 = tpu.memref_slice %arg6[%dma_wait3A_141, %dma_wait3A_142] : memref<10000x128xf32, #tpu.memory_space<hbm>> -> memref<10000x128xf32, #tpu.memory_space<hbm>>
      tpu.wait_indirect_dma semaphore(%arg20 : memref<!tpu.dma_semaphore, #tpu.memory_space<semaphore_mem>>) src(%dma_wait3A_143 : memref<10000x128xf32, #tpu.memory_space<hbm>>) dst(%dma_wait3A_137 : memref<128x128xf32, #tpu.memory_space<vmem>>)
      %add3A_144 = arith.constant 1 : i32
      %add3A_145 = arith.addi %scan3A_106, %add3A_144 : i32
      %lt3A = arith.constant 78 : i32
      %lt3A_146 = arith.cmpi slt, %add3A_145, %lt3A : i32
      %convert_element_type3A_147 = arith.extui %lt3A_146 : i1 to i32
      %cond3A_148 = arith.constant 0 : i32
      %cond3A_149 = arith.cmpi ne, %convert_element_type3A_147, %cond3A_148 : i32
      scf.if %cond3A_149 {
        %add3A_186 = arith.constant 1 : i32
        %add3A_187 = arith.addi %scan3A_106, %add3A_186 : i32
        %sub3A = arith.constant 1 : i32
        %sub3A_188 = arith.subi %sub3A, %rem3A_107 : i32
        %mul3A_189 = arith.constant 128 : i32
        %mul3A_190 = arith.muli %add3A_187, %mul3A_189 : i32
        %add3A_191 = arith.addi %mul3A_2, %mul3A_190 : i32
        %multiple_of3A_192 = tpu.assume_multiple %add3A_191, 8 : i32
        "tpu.region"() ({
          %run_scoped3A_223 = tpu.sem_alloc : memref<!tpu.dma_semaphore, #tpu.memory_space<semaphore_mem>>
          %dma_start3A_224 = arith.constant 0 : i32
          %dma_start3A_225 = tpu.memref_slice %arg10[%sub3A_188, %dma_start3A_224] : memref<2x128xi32, #tpu.memory_space<vmem>> -> memref<1x128xi32, #tpu.memory_space<vmem>>
          %dma_start3A_226 = tpu.memref_squeeze %dma_start3A_225 : memref<1x128xi32, #tpu.memory_space<vmem>> -> memref<128xi32, #tpu.memory_space<vmem>>
          %dma_start3A_227 = tpu.memref_slice %arg2[%multiple_of3A_192] : memref<320000xi32, #tpu.memory_space<hbm>> -> memref<128xi32, #tpu.memory_space<hbm>>
          %dma_start3A_228 = arith.constant 0 : i32
          %dma_start3A_229 = tpu.memref_slice %arg10[%sub3A_188, %dma_start3A_228] : memref<2x128xi32, #tpu.memory_space<vmem>> -> memref<1x128xi32, #tpu.memory_space<vmem>>
          %dma_start3A_230 = tpu.memref_squeeze %dma_start3A_229 : memref<1x128xi32, #tpu.memory_space<vmem>> -> memref<128xi32, #tpu.memory_space<vmem>>
          %dma_start3A_231 = tpu.memref_slice %arg2[%multiple_of3A_192] : memref<320000xi32, #tpu.memory_space<hbm>> -> memref<128xi32, #tpu.memory_space<hbm>>
          tpu.enqueue_dma source(%dma_start3A_231 : memref<128xi32, #tpu.memory_space<hbm>>) target(%dma_start3A_230 : memref<128xi32, #tpu.memory_space<vmem>>) target_semaphore(%run_scoped3A_223 : memref<!tpu.dma_semaphore, #tpu.memory_space<semaphore_mem>>)
          %dma_wait3A_232 = arith.constant 0 : i32
          %dma_wait3A_233 = tpu.memref_slice %arg10[%sub3A_188, %dma_wait3A_232] : memref<2x128xi32, #tpu.memory_space<vmem>> -> memref<1x128xi32, #tpu.memory_space<vmem>>
          %dma_wait3A_234 = tpu.memref_squeeze %dma_wait3A_233 : memref<1x128xi32, #tpu.memory_space<vmem>> -> memref<128xi32, #tpu.memory_space<vmem>>
          %dma_wait3A_235 = tpu.memref_slice %arg2[%multiple_of3A_192] : memref<320000xi32, #tpu.memory_space<hbm>> -> memref<128xi32, #tpu.memory_space<hbm>>
          %dma_wait3A_236 = arith.constant 0 : i32
          %dma_wait3A_237 = tpu.memref_slice %arg10[%sub3A_188, %dma_wait3A_236] : memref<2x128xi32, #tpu.memory_space<vmem>> -> memref<1x128xi32, #tpu.memory_space<vmem>>
          %dma_wait3A_238 = tpu.memref_squeeze %dma_wait3A_237 : memref<1x128xi32, #tpu.memory_space<vmem>> -> memref<128xi32, #tpu.memory_space<vmem>>
          %dma_wait3A_239 = tpu.memref_slice %arg2[%multiple_of3A_192] : memref<320000xi32, #tpu.memory_space<hbm>> -> memref<128xi32, #tpu.memory_space<hbm>>
          tpu.wait_dma2 semaphore(%run_scoped3A_223 : memref<!tpu.dma_semaphore, #tpu.memory_space<semaphore_mem>>) src(%dma_wait3A_239 : memref<128xi32, #tpu.memory_space<hbm>>) dst(%dma_wait3A_238 : memref<128xi32, #tpu.memory_space<vmem>>)
          tpu.yield
        }) : () -> ()
        "tpu.region"() ({
          %run_scoped3A_223 = tpu.sem_alloc : memref<!tpu.dma_semaphore, #tpu.memory_space<semaphore_mem>>
          %dma_start3A_224 = arith.constant 0 : i32
          %dma_start3A_225 = tpu.memref_slice %arg11[%sub3A_188, %dma_start3A_224] : memref<2x128xi32, #tpu.memory_space<vmem>> -> memref<1x128xi32, #tpu.memory_space<vmem>>
          %dma_start3A_226 = tpu.memref_squeeze %dma_start3A_225 : memref<1x128xi32, #tpu.memory_space<vmem>> -> memref<128xi32, #tpu.memory_space<vmem>>
          %dma_start3A_227 = tpu.memref_slice %arg3[%multiple_of3A_192] : memref<320000xi32, #tpu.memory_space<hbm>> -> memref<128xi32, #tpu.memory_space<hbm>>
          %dma_start3A_228 = arith.constant 0 : i32
          %dma_start3A_229 = tpu.memref_slice %arg11[%sub3A_188, %dma_start3A_228] : memref<2x128xi32, #tpu.memory_space<vmem>> -> memref<1x128xi32, #tpu.memory_space<vmem>>
          %dma_start3A_230 = tpu.memref_squeeze %dma_start3A_229 : memref<1x128xi32, #tpu.memory_space<vmem>> -> memref<128xi32, #tpu.memory_space<vmem>>
          %dma_start3A_231 = tpu.memref_slice %arg3[%multiple_of3A_192] : memref<320000xi32, #tpu.memory_space<hbm>> -> memref<128xi32, #tpu.memory_space<hbm>>
          tpu.enqueue_dma source(%dma_start3A_231 : memref<128xi32, #tpu.memory_space<hbm>>) target(%dma_start3A_230 : memref<128xi32, #tpu.memory_space<vmem>>) target_semaphore(%run_scoped3A_223 : memref<!tpu.dma_semaphore, #tpu.memory_space<semaphore_mem>>)
          %dma_wait3A_232 = arith.constant 0 : i32
          %dma_wait3A_233 = tpu.memref_slice %arg11[%sub3A_188, %dma_wait3A_232] : memref<2x128xi32, #tpu.memory_space<vmem>> -> memref<1x128xi32, #tpu.memory_space<vmem>>
          %dma_wait3A_234 = tpu.memref_squeeze %dma_wait3A_233 : memref<1x128xi32, #tpu.memory_space<vmem>> -> memref<128xi32, #tpu.memory_space<vmem>>
          %dma_wait3A_235 = tpu.memref_slice %arg3[%multiple_of3A_192] : memref<320000xi32, #tpu.memory_space<hbm>> -> memref<128xi32, #tpu.memory_space<hbm>>
          %dma_wait3A_236 = arith.constant 0 : i32
          %dma_wait3A_237 = tpu.memref_slice %arg11[%sub3A_188, %dma_wait3A_236] : memref<2x128xi32, #tpu.memory_space<vmem>> -> memref<1x128xi32, #tpu.memory_space<vmem>>
          %dma_wait3A_238 = tpu.memref_squeeze %dma_wait3A_237 : memref<1x128xi32, #tpu.memory_space<vmem>> -> memref<128xi32, #tpu.memory_space<vmem>>
          %dma_wait3A_239 = tpu.memref_slice %arg3[%multiple_of3A_192] : memref<320000xi32, #tpu.memory_space<hbm>> -> memref<128xi32, #tpu.memory_space<hbm>>
          tpu.wait_dma2 semaphore(%run_scoped3A_223 : memref<!tpu.dma_semaphore, #tpu.memory_space<semaphore_mem>>) src(%dma_wait3A_239 : memref<128xi32, #tpu.memory_space<hbm>>) dst(%dma_wait3A_238 : memref<128xi32, #tpu.memory_space<vmem>>)
          tpu.yield
        }) : () -> ()
        %dma_start3A_193 = arith.constant 0 : i32
        %dma_start3A_194 = arith.constant 0 : i32
        %dma_start3A_195 = tpu.memref_slice %arg14[%sub3A_188, %dma_start3A_193, %dma_start3A_194] : memref<2x128x128xf32, #tpu.memory_space<vmem>> -> memref<1x128x128xf32, #tpu.memory_space<vmem>>
        %dma_start3A_196 = tpu.memref_squeeze %dma_start3A_195 : memref<1x128x128xf32, #tpu.memory_space<vmem>> -> memref<128x128xf32, #tpu.memory_space<vmem>>
        %dma_start3A_197 = arith.constant 0 : i32
        %dma_start3A_198 = tpu.memref_slice %arg11[%sub3A_188, %dma_start3A_197] : memref<2x128xi32, #tpu.memory_space<vmem>> -> memref<1x128xi32, #tpu.memory_space<vmem>>
        %dma_start3A_199 = tpu.memref_squeeze %dma_start3A_198 : memref<1x128xi32, #tpu.memory_space<vmem>> -> memref<128xi32, #tpu.memory_space<vmem>>
        %dma_start3A_200 = arith.constant 0 : i32
        %dma_start3A_201 = arith.constant 0 : i32
        %dma_start3A_202 = tpu.memref_slice %arg4[%dma_start3A_200, %dma_start3A_201] : memref<10000x128xf32, #tpu.memory_space<hbm>> -> memref<10000x128xf32, #tpu.memory_space<hbm>>
        tpu.enqueue_indirect_dma source(%dma_start3A_202 : memref<10000x128xf32, #tpu.memory_space<hbm>>) target(%dma_start3A_196 : memref<128x128xf32, #tpu.memory_space<vmem>>) offsets(%dma_start3A_199 : memref<128xi32, #tpu.memory_space<vmem>>) semaphore(%arg20 : memref<!tpu.dma_semaphore, #tpu.memory_space<semaphore_mem>>)
        %dma_start3A_203 = arith.constant 0 : i32
        %dma_start3A_204 = arith.constant 0 : i32
        %dma_start3A_205 = tpu.memref_slice %arg15[%sub3A_188, %dma_start3A_203, %dma_start3A_204] : memref<2x128x128xf32, #tpu.memory_space<vmem>> -> memref<1x128x128xf32, #tpu.memory_space<vmem>>
        %dma_start3A_206 = tpu.memref_squeeze %dma_start3A_205 : memref<1x128x128xf32, #tpu.memory_space<vmem>> -> memref<128x128xf32, #tpu.memory_space<vmem>>
        %dma_start3A_207 = arith.constant 0 : i32
        %dma_start3A_208 = tpu.memref_slice %arg10[%sub3A_188, %dma_start3A_207] : memref<2x128xi32, #tpu.memory_space<vmem>> -> memref<1x128xi32, #tpu.memory_space<vmem>>
        %dma_start3A_209 = tpu.memref_squeeze %dma_start3A_208 : memref<1x128xi32, #tpu.memory_space<vmem>> -> memref<128xi32, #tpu.memory_space<vmem>>
        %dma_start3A_210 = arith.constant 0 : i32
        %dma_start3A_211 = arith.constant 0 : i32
        %dma_start3A_212 = tpu.memref_slice %arg5[%dma_start3A_210, %dma_start3A_211] : memref<10000x128xf32, #tpu.memory_space<hbm>> -> memref<10000x128xf32, #tpu.memory_space<hbm>>
        tpu.enqueue_indirect_dma source(%dma_start3A_212 : memref<10000x128xf32, #tpu.memory_space<hbm>>) target(%dma_start3A_206 : memref<128x128xf32, #tpu.memory_space<vmem>>) offsets(%dma_start3A_209 : memref<128xi32, #tpu.memory_space<vmem>>) semaphore(%arg20 : memref<!tpu.dma_semaphore, #tpu.memory_space<semaphore_mem>>)
        %dma_start3A_213 = arith.constant 0 : i32
        %dma_start3A_214 = arith.constant 0 : i32
        %dma_start3A_215 = tpu.memref_slice %arg16[%sub3A_188, %dma_start3A_213, %dma_start3A_214] : memref<2x128x128xf32, #tpu.memory_space<vmem>> -> memref<1x128x128xf32, #tpu.memory_space<vmem>>
        %dma_start3A_216 = tpu.memref_squeeze %dma_start3A_215 : memref<1x128x128xf32, #tpu.memory_space<vmem>> -> memref<128x128xf32, #tpu.memory_space<vmem>>
        %dma_start3A_217 = arith.constant 0 : i32
        %dma_start3A_218 = tpu.memref_slice %arg10[%sub3A_188, %dma_start3A_217] : memref<2x128xi32, #tpu.memory_space<vmem>> -> memref<1x128xi32, #tpu.memory_space<vmem>>
        %dma_start3A_219 = tpu.memref_squeeze %dma_start3A_218 : memref<1x128xi32, #tpu.memory_space<vmem>> -> memref<128xi32, #tpu.memory_space<vmem>>
        %dma_start3A_220 = arith.constant 0 : i32
        %dma_start3A_221 = arith.constant 0 : i32
        %dma_start3A_222 = tpu.memref_slice %arg6[%dma_start3A_220, %dma_start3A_221] : memref<10000x128xf32, #tpu.memory_space<hbm>> -> memref<10000x128xf32, #tpu.memory_space<hbm>>
        tpu.enqueue_indirect_dma source(%dma_start3A_222 : memref<10000x128xf32, #tpu.memory_space<hbm>>) target(%dma_start3A_216 : memref<128x128xf32, #tpu.memory_space<vmem>>) offsets(%dma_start3A_219 : memref<128xi32, #tpu.memory_space<vmem>>) semaphore(%arg20 : memref<!tpu.dma_semaphore, #tpu.memory_space<semaphore_mem>>)
      } else {
      }
      %dma_start3A_150 = arith.constant 0 : i32
      %dma_start3A_151 = arith.constant 0 : i32
      %dma_start3A_152 = tpu.memref_slice %arg14[%rem3A_107, %dma_start3A_150, %dma_start3A_151] : memref<2x128x128xf32, #tpu.memory_space<vmem>> -> memref<1x128x128xf32, #tpu.memory_space<vmem>>
      %dma_start3A_153 = tpu.memref_squeeze %dma_start3A_152 : memref<1x128x128xf32, #tpu.memory_space<vmem>> -> memref<128x128xf32, #tpu.memory_space<vmem>>
      %dma_start3A_154 = arith.constant 0 : i32
      %dma_start3A_155 = tpu.memref_slice %arg7[%multiple_of3A_111, %dma_start3A_154] : memref<320000x128xf32, #tpu.memory_space<hbm>> -> memref<128x128xf32, #tpu.memory_space<hbm>>
      %dma_start3A_156 = arith.constant 0 : i32
      %dma_start3A_157 = tpu.memref_slice %arg7[%multiple_of3A_111, %dma_start3A_156] : memref<320000x128xf32, #tpu.memory_space<hbm>> -> memref<128x128xf32, #tpu.memory_space<hbm>>
      %dma_start3A_158 = arith.constant 0 : i32
      %dma_start3A_159 = arith.constant 0 : i32
      %dma_start3A_160 = tpu.memref_slice %arg14[%rem3A_107, %dma_start3A_158, %dma_start3A_159] : memref<2x128x128xf32, #tpu.memory_space<vmem>> -> memref<1x128x128xf32, #tpu.memory_space<vmem>>
      %dma_start3A_161 = tpu.memref_squeeze %dma_start3A_160 : memref<1x128x128xf32, #tpu.memory_space<vmem>> -> memref<128x128xf32, #tpu.memory_space<vmem>>
      tpu.enqueue_dma source(%dma_start3A_161 : memref<128x128xf32, #tpu.memory_space<vmem>>) target(%dma_start3A_157 : memref<128x128xf32, #tpu.memory_space<hbm>>) target_semaphore(%arg21 : memref<!tpu.dma_semaphore, #tpu.memory_space<semaphore_mem>>)
      %dma_start3A_162 = arith.constant 0 : i32
      %dma_start3A_163 = arith.constant 0 : i32
      %dma_start3A_164 = tpu.memref_slice %arg15[%rem3A_107, %dma_start3A_162, %dma_start3A_163] : memref<2x128x128xf32, #tpu.memory_space<vmem>> -> memref<1x128x128xf32, #tpu.memory_space<vmem>>
      %dma_start3A_165 = tpu.memref_squeeze %dma_start3A_164 : memref<1x128x128xf32, #tpu.memory_space<vmem>> -> memref<128x128xf32, #tpu.memory_space<vmem>>
      %dma_start3A_166 = arith.constant 0 : i32
      %dma_start3A_167 = tpu.memref_slice %arg8[%multiple_of3A_111, %dma_start3A_166] : memref<320000x128xf32, #tpu.memory_space<hbm>> -> memref<128x128xf32, #tpu.memory_space<hbm>>
      %dma_start3A_168 = arith.constant 0 : i32
      %dma_start3A_169 = tpu.memref_slice %arg8[%multiple_of3A_111, %dma_start3A_168] : memref<320000x128xf32, #tpu.memory_space<hbm>> -> memref<128x128xf32, #tpu.memory_space<hbm>>
      %dma_start3A_170 = arith.constant 0 : i32
      %dma_start3A_171 = arith.constant 0 : i32
      %dma_start3A_172 = tpu.memref_slice %arg15[%rem3A_107, %dma_start3A_170, %dma_start3A_171] : memref<2x128x128xf32, #tpu.memory_space<vmem>> -> memref<1x128x128xf32, #tpu.memory_space<vmem>>
      %dma_start3A_173 = tpu.memref_squeeze %dma_start3A_172 : memref<1x128x128xf32, #tpu.memory_space<vmem>> -> memref<128x128xf32, #tpu.memory_space<vmem>>
      tpu.enqueue_dma source(%dma_start3A_173 : memref<128x128xf32, #tpu.memory_space<vmem>>) target(%dma_start3A_169 : memref<128x128xf32, #tpu.memory_space<hbm>>) target_semaphore(%arg21 : memref<!tpu.dma_semaphore, #tpu.memory_space<semaphore_mem>>)
      %dma_start3A_174 = arith.constant 0 : i32
      %dma_start3A_175 = arith.constant 0 : i32
      %dma_start3A_176 = tpu.memref_slice %arg16[%rem3A_107, %dma_start3A_174, %dma_start3A_175] : memref<2x128x128xf32, #tpu.memory_space<vmem>> -> memref<1x128x128xf32, #tpu.memory_space<vmem>>
      %dma_start3A_177 = tpu.memref_squeeze %dma_start3A_176 : memref<1x128x128xf32, #tpu.memory_space<vmem>> -> memref<128x128xf32, #tpu.memory_space<vmem>>
      %dma_start3A_178 = arith.constant 0 : i32
      %dma_start3A_179 = tpu.memref_slice %arg9[%multiple_of3A_111, %dma_start3A_178] : memref<320000x128xf32, #tpu.memory_space<hbm>> -> memref<128x128xf32, #tpu.memory_space<hbm>>
      %dma_start3A_180 = arith.constant 0 : i32
      %dma_start3A_181 = tpu.memref_slice %arg9[%multiple_of3A_111, %dma_start3A_180] : memref<320000x128xf32, #tpu.memory_space<hbm>> -> memref<128x128xf32, #tpu.memory_space<hbm>>
      %dma_start3A_182 = arith.constant 0 : i32
      %dma_start3A_183 = arith.constant 0 : i32
      %dma_start3A_184 = tpu.memref_slice %arg16[%rem3A_107, %dma_start3A_182, %dma_start3A_183] : memref<2x128x128xf32, #tpu.memory_space<vmem>> -> memref<1x128x128xf32, #tpu.memory_space<vmem>>
      %dma_start3A_185 = tpu.memref_squeeze %dma_start3A_184 : memref<1x128x128xf32, #tpu.memory_space<vmem>> -> memref<128x128xf32, #tpu.memory_space<vmem>>
      tpu.enqueue_dma source(%dma_start3A_185 : memref<128x128xf32, #tpu.memory_space<vmem>>) target(%dma_start3A_181 : memref<128x128xf32, #tpu.memory_space<hbm>>) target_semaphore(%arg21 : memref<!tpu.dma_semaphore, #tpu.memory_space<semaphore_mem>>)
    }
    %scan3A_45 = arith.constant 78 : i32
    %add3A_46 = arith.constant 9856 : i32
    %add3A_47 = arith.addi %mul3A_2, %add3A_46 : i32
    %dma_wait3A = arith.constant 1 : i32
    %dma_wait3A_48 = arith.constant 0 : i32
    %dma_wait3A_49 = arith.constant 0 : i32
    %dma_wait3A_50 = tpu.memref_slice %arg14[%dma_wait3A, %dma_wait3A_48, %dma_wait3A_49] : memref<2x128x128xf32, #tpu.memory_space<vmem>> -> memref<1x128x128xf32, #tpu.memory_space<vmem>>
    %dma_wait3A_51 = tpu.memref_squeeze %dma_wait3A_50 : memref<1x128x128xf32, #tpu.memory_space<vmem>> -> memref<128x128xf32, #tpu.memory_space<vmem>>
    %dma_wait3A_52 = arith.constant 0 : i32
    %dma_wait3A_53 = tpu.memref_slice %arg7[%add3A_47, %dma_wait3A_52] : memref<320000x128xf32, #tpu.memory_space<hbm>> -> memref<128x128xf32, #tpu.memory_space<hbm>>
    %dma_wait3A_54 = arith.constant 0 : i32
    %dma_wait3A_55 = tpu.memref_slice %arg7[%add3A_47, %dma_wait3A_54] : memref<320000x128xf32, #tpu.memory_space<hbm>> -> memref<128x128xf32, #tpu.memory_space<hbm>>
    %dma_wait3A_56 = arith.constant 0 : i32
    %dma_wait3A_57 = arith.constant 0 : i32
    %dma_wait3A_58 = tpu.memref_slice %arg14[%dma_wait3A, %dma_wait3A_56, %dma_wait3A_57] : memref<2x128x128xf32, #tpu.memory_space<vmem>> -> memref<1x128x128xf32, #tpu.memory_space<vmem>>
    %dma_wait3A_59 = tpu.memref_squeeze %dma_wait3A_58 : memref<1x128x128xf32, #tpu.memory_space<vmem>> -> memref<128x128xf32, #tpu.memory_space<vmem>>
    tpu.wait_dma2 semaphore(%arg21 : memref<!tpu.dma_semaphore, #tpu.memory_space<semaphore_mem>>) src(%dma_wait3A_59 : memref<128x128xf32, #tpu.memory_space<vmem>>) dst(%dma_wait3A_55 : memref<128x128xf32, #tpu.memory_space<hbm>>)
    %dma_wait3A_60 = arith.constant 1 : i32
    %dma_wait3A_61 = arith.constant 0 : i32
    %dma_wait3A_62 = arith.constant 0 : i32
    %dma_wait3A_63 = tpu.memref_slice %arg15[%dma_wait3A_60, %dma_wait3A_61, %dma_wait3A_62] : memref<2x128x128xf32, #tpu.memory_space<vmem>> -> memref<1x128x128xf32, #tpu.memory_space<vmem>>
    %dma_wait3A_64 = tpu.memref_squeeze %dma_wait3A_63 : memref<1x128x128xf32, #tpu.memory_space<vmem>> -> memref<128x128xf32, #tpu.memory_space<vmem>>
    %dma_wait3A_65 = arith.constant 0 : i32
    %dma_wait3A_66 = tpu.memref_slice %arg8[%add3A_47, %dma_wait3A_65] : memref<320000x128xf32, #tpu.memory_space<hbm>> -> memref<128x128xf32, #tpu.memory_space<hbm>>
    %dma_wait3A_67 = arith.constant 0 : i32
    %dma_wait3A_68 = tpu.memref_slice %arg8[%add3A_47, %dma_wait3A_67] : memref<320000x128xf32, #tpu.memory_space<hbm>> -> memref<128x128xf32, #tpu.memory_space<hbm>>
    %dma_wait3A_69 = arith.constant 0 : i32
    %dma_wait3A_70 = arith.constant 0 : i32
    %dma_wait3A_71 = tpu.memref_slice %arg15[%dma_wait3A_60, %dma_wait3A_69, %dma_wait3A_70] : memref<2x128x128xf32, #tpu.memory_space<vmem>> -> memref<1x128x128xf32, #tpu.memory_space<vmem>>
    %dma_wait3A_72 = tpu.memref_squeeze %dma_wait3A_71 : memref<1x128x128xf32, #tpu.memory_space<vmem>> -> memref<128x128xf32, #tpu.memory_space<vmem>>
    tpu.wait_dma2 semaphore(%arg21 : memref<!tpu.dma_semaphore, #tpu.memory_space<semaphore_mem>>) src(%dma_wait3A_72 : memref<128x128xf32, #tpu.memory_space<vmem>>) dst(%dma_wait3A_68 : memref<128x128xf32, #tpu.memory_space<hbm>>)
    %dma_wait3A_73 = arith.constant 1 : i32
    %dma_wait3A_74 = arith.constant 0 : i32
    %dma_wait3A_75 = arith.constant 0 : i32
    %dma_wait3A_76 = tpu.memref_slice %arg16[%dma_wait3A_73, %dma_wait3A_74, %dma_wait3A_75] : memref<2x128x128xf32, #tpu.memory_space<vmem>> -> memref<1x128x128xf32, #tpu.memory_space<vmem>>
    %dma_wait3A_77 = tpu.memref_squeeze %dma_wait3A_76 : memref<1x128x128xf32, #tpu.memory_space<vmem>> -> memref<128x128xf32, #tpu.memory_space<vmem>>
    %dma_wait3A_78 = arith.constant 0 : i32
    %dma_wait3A_79 = tpu.memref_slice %arg9[%add3A_47, %dma_wait3A_78] : memref<320000x128xf32, #tpu.memory_space<hbm>> -> memref<128x128xf32, #tpu.memory_space<hbm>>
    %dma_wait3A_80 = arith.constant 0 : i32
    %dma_wait3A_81 = tpu.memref_slice %arg9[%add3A_47, %dma_wait3A_80] : memref<320000x128xf32, #tpu.memory_space<hbm>> -> memref<128x128xf32, #tpu.memory_space<hbm>>
    %dma_wait3A_82 = arith.constant 0 : i32
    %dma_wait3A_83 = arith.constant 0 : i32
    %dma_wait3A_84 = tpu.memref_slice %arg16[%dma_wait3A_73, %dma_wait3A_82, %dma_wait3A_83] : memref<2x128x128xf32, #tpu.memory_space<vmem>> -> memref<1x128x128xf32, #tpu.memory_space<vmem>>
    %dma_wait3A_85 = tpu.memref_squeeze %dma_wait3A_84 : memref<1x128x128xf32, #tpu.memory_space<vmem>> -> memref<128x128xf32, #tpu.memory_space<vmem>>
    tpu.wait_dma2 semaphore(%arg21 : memref<!tpu.dma_semaphore, #tpu.memory_space<semaphore_mem>>) src(%dma_wait3A_85 : memref<128x128xf32, #tpu.memory_space<vmem>>) dst(%dma_wait3A_81 : memref<128x128xf32, #tpu.memory_space<hbm>>)
    %add3A_86 = arith.constant 9984 : i32
    %add3A_87 = arith.addi %mul3A_2, %add3A_86 : i32
    "tpu.region"() ({
      %run_scoped3A_106 = tpu.sem_alloc : memref<!tpu.dma_semaphore, #tpu.memory_space<semaphore_mem>>
      %dma_start3A_107 = tpu.memref_slice %arg2[%add3A_87] : memref<320000xi32, #tpu.memory_space<hbm>> -> memref<16xi32, #tpu.memory_space<hbm>>
      %dma_start3A_108 = tpu.memref_slice %arg2[%add3A_87] : memref<320000xi32, #tpu.memory_space<hbm>> -> memref<16xi32, #tpu.memory_space<hbm>>
      tpu.enqueue_dma source(%dma_start3A_108 : memref<16xi32, #tpu.memory_space<hbm>>) target(%arg12 : memref<16xi32, #tpu.memory_space<vmem>>) target_semaphore(%run_scoped3A_106 : memref<!tpu.dma_semaphore, #tpu.memory_space<semaphore_mem>>)
      %dma_wait3A_109 = tpu.memref_slice %arg2[%add3A_87] : memref<320000xi32, #tpu.memory_space<hbm>> -> memref<16xi32, #tpu.memory_space<hbm>>
      %dma_wait3A_110 = tpu.memref_slice %arg2[%add3A_87] : memref<320000xi32, #tpu.memory_space<hbm>> -> memref<16xi32, #tpu.memory_space<hbm>>
      tpu.wait_dma2 semaphore(%run_scoped3A_106 : memref<!tpu.dma_semaphore, #tpu.memory_space<semaphore_mem>>) src(%dma_wait3A_110 : memref<16xi32, #tpu.memory_space<hbm>>) dst(%arg12 : memref<16xi32, #tpu.memory_space<vmem>>)
      tpu.yield
    }) : () -> ()
    "tpu.region"() ({
      %run_scoped3A_106 = tpu.sem_alloc : memref<!tpu.dma_semaphore, #tpu.memory_space<semaphore_mem>>
      %dma_start3A_107 = tpu.memref_slice %arg3[%add3A_87] : memref<320000xi32, #tpu.memory_space<hbm>> -> memref<16xi32, #tpu.memory_space<hbm>>
      %dma_start3A_108 = tpu.memref_slice %arg3[%add3A_87] : memref<320000xi32, #tpu.memory_space<hbm>> -> memref<16xi32, #tpu.memory_space<hbm>>
      tpu.enqueue_dma source(%dma_start3A_108 : memref<16xi32, #tpu.memory_space<hbm>>) target(%arg13 : memref<16xi32, #tpu.memory_space<vmem>>) target_semaphore(%run_scoped3A_106 : memref<!tpu.dma_semaphore, #tpu.memory_space<semaphore_mem>>)
      %dma_wait3A_109 = tpu.memref_slice %arg3[%add3A_87] : memref<320000xi32, #tpu.memory_space<hbm>> -> memref<16xi32, #tpu.memory_space<hbm>>
      %dma_wait3A_110 = tpu.memref_slice %arg3[%add3A_87] : memref<320000xi32, #tpu.memory_space<hbm>> -> memref<16xi32, #tpu.memory_space<hbm>>
      tpu.wait_dma2 semaphore(%run_scoped3A_106 : memref<!tpu.dma_semaphore, #tpu.memory_space<semaphore_mem>>) src(%dma_wait3A_110 : memref<16xi32, #tpu.memory_space<hbm>>) dst(%arg13 : memref<16xi32, #tpu.memory_space<vmem>>)
      tpu.yield
    }) : () -> ()
    %dma_start3A_88 = arith.constant 0 : i32
    %dma_start3A_89 = arith.constant 0 : i32
    %dma_start3A_90 = tpu.memref_slice %arg4[%dma_start3A_88, %dma_start3A_89] : memref<10000x128xf32, #tpu.memory_space<hbm>> -> memref<10000x128xf32, #tpu.memory_space<hbm>>
    tpu.enqueue_indirect_dma source(%dma_start3A_90 : memref<10000x128xf32, #tpu.memory_space<hbm>>) target(%arg17 : memref<16x128xf32, #tpu.memory_space<vmem>>) offsets(%arg13 : memref<16xi32, #tpu.memory_space<vmem>>) semaphore(%arg20 : memref<!tpu.dma_semaphore, #tpu.memory_space<semaphore_mem>>)
    %dma_start3A_91 = arith.constant 0 : i32
    %dma_start3A_92 = arith.constant 0 : i32
    %dma_start3A_93 = tpu.memref_slice %arg5[%dma_start3A_91, %dma_start3A_92] : memref<10000x128xf32, #tpu.memory_space<hbm>> -> memref<10000x128xf32, #tpu.memory_space<hbm>>
    tpu.enqueue_indirect_dma source(%dma_start3A_93 : memref<10000x128xf32, #tpu.memory_space<hbm>>) target(%arg18 : memref<16x128xf32, #tpu.memory_space<vmem>>) offsets(%arg12 : memref<16xi32, #tpu.memory_space<vmem>>) semaphore(%arg21 : memref<!tpu.dma_semaphore, #tpu.memory_space<semaphore_mem>>)
    %dma_start3A_94 = arith.constant 0 : i32
    %dma_start3A_95 = arith.constant 0 : i32
    %dma_start3A_96 = tpu.memref_slice %arg6[%dma_start3A_94, %dma_start3A_95] : memref<10000x128xf32, #tpu.memory_space<hbm>> -> memref<10000x128xf32, #tpu.memory_space<hbm>>
    tpu.enqueue_indirect_dma source(%dma_start3A_96 : memref<10000x128xf32, #tpu.memory_space<hbm>>) target(%arg19 : memref<16x128xf32, #tpu.memory_space<vmem>>) offsets(%arg12 : memref<16xi32, #tpu.memory_space<vmem>>) semaphore(%arg22 : memref<!tpu.dma_semaphore, #tpu.memory_space<semaphore_mem>>)
    %dma_wait3A_97 = arith.constant 0 : i32
    %dma_wait3A_98 = arith.constant 0 : i32
    %dma_wait3A_99 = tpu.memref_slice %arg4[%dma_wait3A_97, %dma_wait3A_98] : memref<10000x128xf32, #tpu.memory_space<hbm>> -> memref<10000x128xf32, #tpu.memory_space<hbm>>
    tpu.wait_indirect_dma semaphore(%arg20 : memref<!tpu.dma_semaphore, #tpu.memory_space<semaphore_mem>>) src(%dma_wait3A_99 : memref<10000x128xf32, #tpu.memory_space<hbm>>) dst(%arg17 : memref<16x128xf32, #tpu.memory_space<vmem>>)
    %dma_wait3A_100 = arith.constant 0 : i32
    %dma_wait3A_101 = arith.constant 0 : i32
    %dma_wait3A_102 = tpu.memref_slice %arg5[%dma_wait3A_100, %dma_wait3A_101] : memref<10000x128xf32, #tpu.memory_space<hbm>> -> memref<10000x128xf32, #tpu.memory_space<hbm>>
    tpu.wait_indirect_dma semaphore(%arg21 : memref<!tpu.dma_semaphore, #tpu.memory_space<semaphore_mem>>) src(%dma_wait3A_102 : memref<10000x128xf32, #tpu.memory_space<hbm>>) dst(%arg18 : memref<16x128xf32, #tpu.memory_space<vmem>>)
    %dma_wait3A_103 = arith.constant 0 : i32
    %dma_wait3A_104 = arith.constant 0 : i32
    %dma_wait3A_105 = tpu.memref_slice %arg6[%dma_wait3A_103, %dma_wait3A_104] : memref<10000x128xf32, #tpu.memory_space<hbm>> -> memref<10000x128xf32, #tpu.memory_space<hbm>>
    tpu.wait_indirect_dma semaphore(%arg22 : memref<!tpu.dma_semaphore, #tpu.memory_space<semaphore_mem>>) src(%dma_wait3A_105 : memref<10000x128xf32, #tpu.memory_space<hbm>>) dst(%arg19 : memref<16x128xf32, #tpu.memory_space<vmem>>)
    "tpu.region"() ({
      %run_scoped3A_106 = tpu.sem_alloc : memref<!tpu.dma_semaphore, #tpu.memory_space<semaphore_mem>>
      %dma_start3A_107 = arith.constant 0 : i32
      %dma_start3A_108 = tpu.memref_slice %arg7[%add3A_87, %dma_start3A_107] : memref<320000x128xf32, #tpu.memory_space<hbm>> -> memref<16x128xf32, #tpu.memory_space<hbm>>
      %dma_start3A_109 = arith.constant 0 : i32
      %dma_start3A_110 = tpu.memref_slice %arg7[%add3A_87, %dma_start3A_109] : memref<320000x128xf32, #tpu.memory_space<hbm>> -> memref<16x128xf32, #tpu.memory_space<hbm>>
      tpu.enqueue_dma source(%arg17 : memref<16x128xf32, #tpu.memory_space<vmem>>) target(%dma_start3A_110 : memref<16x128xf32, #tpu.memory_space<hbm>>) target_semaphore(%run_scoped3A_106 : memref<!tpu.dma_semaphore, #tpu.memory_space<semaphore_mem>>)
      %dma_wait3A_111 = arith.constant 0 : i32
      %dma_wait3A_112 = tpu.memref_slice %arg7[%add3A_87, %dma_wait3A_111] : memref<320000x128xf32, #tpu.memory_space<hbm>> -> memref<16x128xf32, #tpu.memory_space<hbm>>
      %dma_wait3A_113 = arith.constant 0 : i32
      %dma_wait3A_114 = tpu.memref_slice %arg7[%add3A_87, %dma_wait3A_113] : memref<320000x128xf32, #tpu.memory_space<hbm>> -> memref<16x128xf32, #tpu.memory_space<hbm>>
      tpu.wait_dma2 semaphore(%run_scoped3A_106 : memref<!tpu.dma_semaphore, #tpu.memory_space<semaphore_mem>>) src(%arg17 : memref<16x128xf32, #tpu.memory_space<vmem>>) dst(%dma_wait3A_114 : memref<16x128xf32, #tpu.memory_space<hbm>>)
      tpu.yield
    }) : () -> ()
    "tpu.region"() ({
      %run_scoped3A_106 = tpu.sem_alloc : memref<!tpu.dma_semaphore, #tpu.memory_space<semaphore_mem>>
      %dma_start3A_107 = arith.constant 0 : i32
      %dma_start3A_108 = tpu.memref_slice %arg8[%add3A_87, %dma_start3A_107] : memref<320000x128xf32, #tpu.memory_space<hbm>> -> memref<16x128xf32, #tpu.memory_space<hbm>>
      %dma_start3A_109 = arith.constant 0 : i32
      %dma_start3A_110 = tpu.memref_slice %arg8[%add3A_87, %dma_start3A_109] : memref<320000x128xf32, #tpu.memory_space<hbm>> -> memref<16x128xf32, #tpu.memory_space<hbm>>
      tpu.enqueue_dma source(%arg18 : memref<16x128xf32, #tpu.memory_space<vmem>>) target(%dma_start3A_110 : memref<16x128xf32, #tpu.memory_space<hbm>>) target_semaphore(%run_scoped3A_106 : memref<!tpu.dma_semaphore, #tpu.memory_space<semaphore_mem>>)
      %dma_wait3A_111 = arith.constant 0 : i32
      %dma_wait3A_112 = tpu.memref_slice %arg8[%add3A_87, %dma_wait3A_111] : memref<320000x128xf32, #tpu.memory_space<hbm>> -> memref<16x128xf32, #tpu.memory_space<hbm>>
      %dma_wait3A_113 = arith.constant 0 : i32
      %dma_wait3A_114 = tpu.memref_slice %arg8[%add3A_87, %dma_wait3A_113] : memref<320000x128xf32, #tpu.memory_space<hbm>> -> memref<16x128xf32, #tpu.memory_space<hbm>>
      tpu.wait_dma2 semaphore(%run_scoped3A_106 : memref<!tpu.dma_semaphore, #tpu.memory_space<semaphore_mem>>) src(%arg18 : memref<16x128xf32, #tpu.memory_space<vmem>>) dst(%dma_wait3A_114 : memref<16x128xf32, #tpu.memory_space<hbm>>)
      tpu.yield
    }) : () -> ()
    "tpu.region"() ({
      %run_scoped3A_106 = tpu.sem_alloc : memref<!tpu.dma_semaphore, #tpu.memory_space<semaphore_mem>>
      %dma_start3A_107 = arith.constant 0 : i32
      %dma_start3A_108 = tpu.memref_slice %arg9[%add3A_87, %dma_start3A_107] : memref<320000x128xf32, #tpu.memory_space<hbm>> -> memref<16x128xf32, #tpu.memory_space<hbm>>
      %dma_start3A_109 = arith.constant 0 : i32
      %dma_start3A_110 = tpu.memref_slice %arg9[%add3A_87, %dma_start3A_109] : memref<320000x128xf32, #tpu.memory_space<hbm>> -> memref<16x128xf32, #tpu.memory_space<hbm>>
      tpu.enqueue_dma source(%arg19 : memref<16x128xf32, #tpu.memory_space<vmem>>) target(%dma_start3A_110 : memref<16x128xf32, #tpu.memory_space<hbm>>) target_semaphore(%run_scoped3A_106 : memref<!tpu.dma_semaphore, #tpu.memory_space<semaphore_mem>>)
      %dma_wait3A_111 = arith.constant 0 : i32
      %dma_wait3A_112 = tpu.memref_slice %arg9[%add3A_87, %dma_wait3A_111] : memref<320000x128xf32, #tpu.memory_space<hbm>> -> memref<16x128xf32, #tpu.memory_space<hbm>>
      %dma_wait3A_113 = arith.constant 0 : i32
      %dma_wait3A_114 = tpu.memref_slice %arg9[%add3A_87, %dma_wait3A_113] : memref<320000x128xf32, #tpu.memory_space<hbm>> -> memref<16x128xf32, #tpu.memory_space<hbm>>
      tpu.wait_dma2 semaphore(%run_scoped3A_106 : memref<!tpu.dma_semaphore, #tpu.memory_space<semaphore_mem>>) src(%arg19 : memref<16x128xf32, #tpu.memory_space<vmem>>) dst(%dma_wait3A_114 : memref<16x128xf32, #tpu.memory_space<hbm>>)
      tpu.yield
    }) : () -> ()
    return
  }
}

module attributes {stable_mosaic.version = 14 : i64} {
  func.func @_qkv_body(%arg0: i32, %arg1: memref<2000x128xf32, #tpu.memory_space<vmem>>, %arg2: memref<128x128xf32, #tpu.memory_space<vmem>>, %arg3: memref<128x128xf32, #tpu.memory_space<vmem>>, %arg4: memref<128x128xf32, #tpu.memory_space<vmem>>, %arg5: memref<1x128xf32, #tpu.memory_space<vmem>>, %arg6: memref<1x128xf32, #tpu.memory_space<vmem>>, %arg7: memref<1x128xf32, #tpu.memory_space<vmem>>, %arg8: memref<2000x128xf32, #tpu.memory_space<vmem>>, %arg9: memref<2000x128xf32, #tpu.memory_space<vmem>>, %arg10: memref<2000x128xf32, #tpu.memory_space<vmem>>) attributes {dimension_semantics = [#tpu.dimension_semantics<arbitrary>], iteration_bounds = array<i64: 5>, scalar_prefetch = 0 : i64, scratch_operands = 0 : i64, tpu.core_type = #tpu.core_type<tc>, window_params = [{transform_indices = @transform_0, window_bounds = array<i64: 2000, 128>}, {pipeline_mode = #tpu.pipeline_mode<synchronous>, transform_indices = @transform_1, window_bounds = array<i64: 128, 128>}, {pipeline_mode = #tpu.pipeline_mode<synchronous>, transform_indices = @transform_2, window_bounds = array<i64: 128, 128>}, {pipeline_mode = #tpu.pipeline_mode<synchronous>, transform_indices = @transform_3, window_bounds = array<i64: 128, 128>}, {pipeline_mode = #tpu.pipeline_mode<synchronous>, transform_indices = @transform_4, window_bounds = array<i64: 1, 128>}, {pipeline_mode = #tpu.pipeline_mode<synchronous>, transform_indices = @transform_5, window_bounds = array<i64: 1, 128>}, {pipeline_mode = #tpu.pipeline_mode<synchronous>, transform_indices = @transform_6, window_bounds = array<i64: 1, 128>}, {transform_indices = @transform_7, window_bounds = array<i64: 2000, 128>}, {transform_indices = @transform_8, window_bounds = array<i64: 2000, 128>}, {transform_indices = @transform_9, window_bounds = array<i64: 2000, 128>}]} {
    %get3A = arith.constant 0 : index
    %get3A_0 = arith.constant 0 : index
    %get3A_1 = vector.load %arg1[%get3A, %get3A_0] : memref<2000x128xf32, #tpu.memory_space<vmem>>, vector<2000x128xf32>
    %get3A_2 = arith.constant 0 : index
    %get3A_3 = arith.constant 0 : index
    %get3A_4 = vector.load %arg2[%get3A_2, %get3A_3] : memref<128x128xf32, #tpu.memory_space<vmem>>, vector<128x128xf32>
    %dot_general3A = arith.constant dense<0.000000e+00> : vector<2000x128xf32>
    %dot_general3A_5 = tpu.matmul %get3A_1, %get3A_4, %dot_general3A {dimension_numbers = #tpu.dot_dimension_numbers<[1], [0], [0], [1], [0, 0, 1, 1], [], []>, transpose_lhs_hint = false} : vector<2000x128xf32>, vector<128x128xf32>, vector<2000x128xf32> -> vector<2000x128xf32>
    %get3A_6 = arith.constant 0 : index
    %get3A_7 = arith.constant 0 : index
    %get3A_8 = vector.load %arg5[%get3A_6, %get3A_7] : memref<1x128xf32, #tpu.memory_space<vmem>>, vector<1x128xf32>
    %add3A = vector.broadcast %get3A_8 : vector<1x128xf32> to vector<2000x128xf32>
    %add3A_9 = arith.addf %dot_general3A_5, %add3A : vector<2000x128xf32>
    %swap3A = arith.constant 0 : index
    %swap3A_10 = arith.constant 0 : index
    %swap3A_11 = vector.load %arg8[%swap3A, %swap3A_10] : memref<2000x128xf32, #tpu.memory_space<vmem>>, vector<2000x128xf32>
    tpu.vector_store %arg8[%swap3A, %swap3A_10], %add3A_9 {strides = array<i32>} : memref<2000x128xf32, #tpu.memory_space<vmem>>, vector<2000x128xf32>,
    %get3A_12 = arith.constant 0 : index
    %get3A_13 = arith.constant 0 : index
    %get3A_14 = vector.load %arg3[%get3A_12, %get3A_13] : memref<128x128xf32, #tpu.memory_space<vmem>>, vector<128x128xf32>
    %dot_general3A_15 = arith.constant dense<0.000000e+00> : vector<2000x128xf32>
    %dot_general3A_16 = tpu.matmul %get3A_1, %get3A_14, %dot_general3A_15 {dimension_numbers = #tpu.dot_dimension_numbers<[1], [0], [0], [1], [0, 0, 1, 1], [], []>, transpose_lhs_hint = false} : vector<2000x128xf32>, vector<128x128xf32>, vector<2000x128xf32> -> vector<2000x128xf32>
    %get3A_17 = arith.constant 0 : index
    %get3A_18 = arith.constant 0 : index
    %get3A_19 = vector.load %arg6[%get3A_17, %get3A_18] : memref<1x128xf32, #tpu.memory_space<vmem>>, vector<1x128xf32>
    %add3A_20 = vector.broadcast %get3A_19 : vector<1x128xf32> to vector<2000x128xf32>
    %add3A_21 = arith.addf %dot_general3A_16, %add3A_20 : vector<2000x128xf32>
    %swap3A_22 = arith.constant 0 : index
    %swap3A_23 = arith.constant 0 : index
    %swap3A_24 = vector.load %arg9[%swap3A_22, %swap3A_23] : memref<2000x128xf32, #tpu.memory_space<vmem>>, vector<2000x128xf32>
    tpu.vector_store %arg9[%swap3A_22, %swap3A_23], %add3A_21 {strides = array<i32>} : memref<2000x128xf32, #tpu.memory_space<vmem>>, vector<2000x128xf32>,
    %get3A_25 = arith.constant 0 : index
    %get3A_26 = arith.constant 0 : index
    %get3A_27 = vector.load %arg4[%get3A_25, %get3A_26] : memref<128x128xf32, #tpu.memory_space<vmem>>, vector<128x128xf32>
    %dot_general3A_28 = arith.constant dense<0.000000e+00> : vector<2000x128xf32>
    %dot_general3A_29 = tpu.matmul %get3A_1, %get3A_27, %dot_general3A_28 {dimension_numbers = #tpu.dot_dimension_numbers<[1], [0], [0], [1], [0, 0, 1, 1], [], []>, transpose_lhs_hint = false} : vector<2000x128xf32>, vector<128x128xf32>, vector<2000x128xf32> -> vector<2000x128xf32>
    %get3A_30 = arith.constant 0 : index
    %get3A_31 = arith.constant 0 : index
    %get3A_32 = vector.load %arg7[%get3A_30, %get3A_31] : memref<1x128xf32, #tpu.memory_space<vmem>>, vector<1x128xf32>
    %add3A_33 = vector.broadcast %get3A_32 : vector<1x128xf32> to vector<2000x128xf32>
    %add3A_34 = arith.addf %dot_general3A_29, %add3A_33 : vector<2000x128xf32>
    %swap3A_35 = arith.constant 0 : index
    %swap3A_36 = arith.constant 0 : index
    %swap3A_37 = vector.load %arg10[%swap3A_35, %swap3A_36] : memref<2000x128xf32, #tpu.memory_space<vmem>>, vector<2000x128xf32>
    tpu.vector_store %arg10[%swap3A_35, %swap3A_36], %add3A_34 {strides = array<i32>} : memref<2000x128xf32, #tpu.memory_space<vmem>>, vector<2000x128xf32>,
    return
  }
  func.func @transform_0(%arg0: i32) -> (i32, i32) {
    %c0_i32 = arith.constant 0 : i32
    %c0_i32_0 = arith.constant 0 : i32
    return %arg0, %c0_i32 : i32, i32
  }
  func.func @transform_1(%arg0: i32) -> (i32, i32) {
    %c0_i32 = arith.constant 0 : i32
    %c0_i32_0 = arith.constant 0 : i32
    %c0_i32_1 = arith.constant 0 : i32
    return %c0_i32, %c0_i32_0 : i32, i32
  }
  func.func @transform_2(%arg0: i32) -> (i32, i32) {
    %c0_i32 = arith.constant 0 : i32
    %c0_i32_0 = arith.constant 0 : i32
    %c0_i32_1 = arith.constant 0 : i32
    return %c0_i32, %c0_i32_0 : i32, i32
  }
  func.func @transform_3(%arg0: i32) -> (i32, i32) {
    %c0_i32 = arith.constant 0 : i32
    %c0_i32_0 = arith.constant 0 : i32
    %c0_i32_1 = arith.constant 0 : i32
    return %c0_i32, %c0_i32_0 : i32, i32
  }
  func.func @transform_4(%arg0: i32) -> (i32, i32) {
    %c0_i32 = arith.constant 0 : i32
    %c0_i32_0 = arith.constant 0 : i32
    %c0_i32_1 = arith.constant 0 : i32
    return %c0_i32, %c0_i32_0 : i32, i32
  }
  func.func @transform_5(%arg0: i32) -> (i32, i32) {
    %c0_i32 = arith.constant 0 : i32
    %c0_i32_0 = arith.constant 0 : i32
    %c0_i32_1 = arith.constant 0 : i32
    return %c0_i32, %c0_i32_0 : i32, i32
  }
  func.func @transform_6(%arg0: i32) -> (i32, i32) {
    %c0_i32 = arith.constant 0 : i32
    %c0_i32_0 = arith.constant 0 : i32
    %c0_i32_1 = arith.constant 0 : i32
    return %c0_i32, %c0_i32_0 : i32, i32
  }
  func.func @transform_7(%arg0: i32) -> (i32, i32) {
    %c0_i32 = arith.constant 0 : i32
    %c0_i32_0 = arith.constant 0 : i32
    return %arg0, %c0_i32 : i32, i32
  }
  func.func @transform_8(%arg0: i32) -> (i32, i32) {
    %c0_i32 = arith.constant 0 : i32
    %c0_i32_0 = arith.constant 0 : i32
    return %arg0, %c0_i32 : i32, i32
  }
  func.func @transform_9(%arg0: i32) -> (i32, i32) {
    %c0_i32 = arith.constant 0 : i32
    %c0_i32_0 = arith.constant 0 : i32
    return %arg0, %c0_i32 : i32, i32
  }
}

module attributes {stable_mosaic.version = 14 : i64} {
  func.func @_edge_body(%arg0: i32, %arg1: memref<2560x128xf32, #tpu.memory_space<vmem>>, %arg2: memref<2560x128xf32, #tpu.memory_space<vmem>>, %arg3: memref<2560x128xf32, #tpu.memory_space<vmem>>, %arg4: memref<2560x16xf32, #tpu.memory_space<vmem>>, %arg5: memref<128x128xf32, #tpu.memory_space<vmem>>, %arg6: memref<16x128xf32, #tpu.memory_space<vmem>>, %arg7: memref<1x128xf32, #tpu.memory_space<vmem>>, %arg8: memref<8x128xf32, #tpu.memory_space<vmem>>, %arg9: memref<128x128xf32, #tpu.memory_space<vmem>>, %arg10: memref<128x2560xf32, #tpu.memory_space<vmem>>, %arg11: memref<8x2560xf32, #tpu.memory_space<vmem>>) attributes {dimension_semantics = [#tpu.dimension_semantics<arbitrary>], iteration_bounds = array<i64: 125>, scalar_prefetch = 0 : i64, scratch_operands = 0 : i64, tpu.core_type = #tpu.core_type<tc>, window_params = [{transform_indices = @transform_0, window_bounds = array<i64: 2560, 128>}, {transform_indices = @transform_1, window_bounds = array<i64: 2560, 128>}, {transform_indices = @transform_2, window_bounds = array<i64: 2560, 128>}, {transform_indices = @transform_3, window_bounds = array<i64: 2560, 16>}, {pipeline_mode = #tpu.pipeline_mode<synchronous>, transform_indices = @transform_4, window_bounds = array<i64: 128, 128>}, {pipeline_mode = #tpu.pipeline_mode<synchronous>, transform_indices = @transform_5, window_bounds = array<i64: 16, 128>}, {pipeline_mode = #tpu.pipeline_mode<synchronous>, transform_indices = @transform_6, window_bounds = array<i64: 1, 128>}, {pipeline_mode = #tpu.pipeline_mode<synchronous>, transform_indices = @transform_7, window_bounds = array<i64: 8, 128>}, {pipeline_mode = #tpu.pipeline_mode<synchronous>, transform_indices = @transform_8, window_bounds = array<i64: 128, 128>}, {transform_indices = @transform_9, window_bounds = array<i64: 128, 2560>}, {transform_indices = @transform_10, window_bounds = array<i64: 8, 2560>}]} {
    %get3A = arith.constant 0 : index
    %get3A_0 = arith.constant 0 : index
    %get3A_1 = vector.load %arg1[%get3A, %get3A_0] : memref<2560x128xf32, #tpu.memory_space<vmem>>, vector<2560x128xf32>
    %get3A_2 = arith.constant 0 : index
    %get3A_3 = arith.constant 0 : index
    %get3A_4 = vector.load %arg2[%get3A_2, %get3A_3] : memref<2560x128xf32, #tpu.memory_space<vmem>>, vector<2560x128xf32>
    %mul3A = arith.mulf %get3A_1, %get3A_4 : vector<2560x128xf32>
    %get3A_5 = arith.constant 0 : index
    %get3A_6 = arith.constant 0 : index
    %get3A_7 = vector.load %arg5[%get3A_5, %get3A_6] : memref<128x128xf32, #tpu.memory_space<vmem>>, vector<128x128xf32>
    %dot_general3A = arith.constant dense<0.000000e+00> : vector<2560x128xf32>
    %dot_general3A_8 = tpu.matmul %mul3A, %get3A_7, %dot_general3A {dimension_numbers = #tpu.dot_dimension_numbers<[1], [0], [0], [1], [0, 0, 1, 1], [], []>, transpose_lhs_hint = false} : vector<2560x128xf32>, vector<128x128xf32>, vector<2560x128xf32> -> vector<2560x128xf32>
    %get3A_9 = arith.constant 0 : index
    %get3A_10 = arith.constant 0 : index
    %get3A_11 = vector.load %arg4[%get3A_9, %get3A_10] : memref<2560x16xf32, #tpu.memory_space<vmem>>, vector<2560x16xf32>
    %get3A_12 = arith.constant 0 : index
    %get3A_13 = arith.constant 0 : index
    %get3A_14 = vector.load %arg6[%get3A_12, %get3A_13] : memref<16x128xf32, #tpu.memory_space<vmem>>, vector<16x128xf32>
    %dot_general3A_15 = arith.constant dense<0.000000e+00> : vector<2560x128xf32>
    %dot_general3A_16 = tpu.matmul %get3A_11, %get3A_14, %dot_general3A_15 {dimension_numbers = #tpu.dot_dimension_numbers<[1], [0], [0], [1], [0, 0, 1, 1], [], []>, transpose_lhs_hint = false} : vector<2560x16xf32>, vector<16x128xf32>, vector<2560x128xf32> -> vector<2560x128xf32>
    %add3A = arith.addf %dot_general3A_8, %dot_general3A_16 : vector<2560x128xf32>
    %get3A_17 = arith.constant 0 : index
    %get3A_18 = arith.constant 0 : index
    %get3A_19 = vector.load %arg7[%get3A_17, %get3A_18] : memref<1x128xf32, #tpu.memory_space<vmem>>, vector<1x128xf32>
    %add3A_20 = vector.broadcast %get3A_19 : vector<1x128xf32> to vector<2560x128xf32>
    %add3A_21 = arith.addf %add3A, %add3A_20 : vector<2560x128xf32>
    %exp3A = math.exp %add3A_21 : vector<2560x128xf32>
    %get3A_22 = arith.constant 0 : index
    %get3A_23 = arith.constant 0 : index
    %get3A_24 = vector.load %arg3[%get3A_22, %get3A_23] : memref<2560x128xf32, #tpu.memory_space<vmem>>, vector<2560x128xf32>
    %mul3A_25 = arith.mulf %get3A_24, %exp3A : vector<2560x128xf32>
    %get3A_26 = arith.constant 0 : index
    %get3A_27 = arith.constant 0 : index
    %get3A_28 = vector.load %arg9[%get3A_26, %get3A_27] : memref<128x128xf32, #tpu.memory_space<vmem>>, vector<128x128xf32>
    %dot_general3A_29 = arith.constant dense<0.000000e+00> : vector<128x2560xf32>
    %dot_general3A_30 = tpu.matmul %get3A_28, %mul3A_25, %dot_general3A_29 {dimension_numbers = #tpu.dot_dimension_numbers<[0], [1], [1], [0], [0, 1, 1, 0], [], []>, transpose_lhs_hint = false} : vector<128x128xf32>, vector<2560x128xf32>, vector<128x2560xf32> -> vector<128x2560xf32>
    %swap3A = arith.constant 0 : index
    %swap3A_31 = arith.constant 0 : index
    %swap3A_32 = vector.load %arg10[%swap3A, %swap3A_31] : memref<128x2560xf32, #tpu.memory_space<vmem>>, vector<128x2560xf32>
    tpu.vector_store %arg10[%swap3A, %swap3A_31], %dot_general3A_30 {strides = array<i32>} : memref<128x2560xf32, #tpu.memory_space<vmem>>, vector<128x2560xf32>,
    %get3A_33 = arith.constant 0 : index
    %get3A_34 = arith.constant 0 : index
    %get3A_35 = vector.load %arg8[%get3A_33, %get3A_34] : memref<8x128xf32, #tpu.memory_space<vmem>>, vector<8x128xf32>
    %dot_general3A_36 = arith.constant dense<0.000000e+00> : vector<8x2560xf32>
    %dot_general3A_37 = tpu.matmul %get3A_35, %exp3A, %dot_general3A_36 {dimension_numbers = #tpu.dot_dimension_numbers<[1], [1], [0], [0], [0, 0, 1, 0], [], []>, transpose_lhs_hint = false} : vector<8x128xf32>, vector<2560x128xf32>, vector<8x2560xf32> -> vector<8x2560xf32>
    %swap3A_38 = arith.constant 0 : index
    %swap3A_39 = arith.constant 0 : index
    %swap3A_40 = vector.load %arg11[%swap3A_38, %swap3A_39] : memref<8x2560xf32, #tpu.memory_space<vmem>>, vector<8x2560xf32>
    tpu.vector_store %arg11[%swap3A_38, %swap3A_39], %dot_general3A_37 {strides = array<i32>} : memref<8x2560xf32, #tpu.memory_space<vmem>>, vector<8x2560xf32>,
    return
  }
  func.func @transform_0(%arg0: i32) -> (i32, i32) {
    %c0_i32 = arith.constant 0 : i32
    %c0_i32_0 = arith.constant 0 : i32
    return %arg0, %c0_i32 : i32, i32
  }
  func.func @transform_1(%arg0: i32) -> (i32, i32) {
    %c0_i32 = arith.constant 0 : i32
    %c0_i32_0 = arith.constant 0 : i32
    return %arg0, %c0_i32 : i32, i32
  }
  func.func @transform_2(%arg0: i32) -> (i32, i32) {
    %c0_i32 = arith.constant 0 : i32
    %c0_i32_0 = arith.constant 0 : i32
    return %arg0, %c0_i32 : i32, i32
  }
  func.func @transform_3(%arg0: i32) -> (i32, i32) {
    %c0_i32 = arith.constant 0 : i32
    %c0_i32_0 = arith.constant 0 : i32
    return %arg0, %c0_i32 : i32, i32
  }
  func.func @transform_4(%arg0: i32) -> (i32, i32) {
    %c0_i32 = arith.constant 0 : i32
    %c0_i32_0 = arith.constant 0 : i32
    %c0_i32_1 = arith.constant 0 : i32
    return %c0_i32, %c0_i32_0 : i32, i32
  }
  func.func @transform_5(%arg0: i32) -> (i32, i32) {
    %c0_i32 = arith.constant 0 : i32
    %c0_i32_0 = arith.constant 0 : i32
    %c0_i32_1 = arith.constant 0 : i32
    return %c0_i32, %c0_i32_0 : i32, i32
  }
  func.func @transform_6(%arg0: i32) -> (i32, i32) {
    %c0_i32 = arith.constant 0 : i32
    %c0_i32_0 = arith.constant 0 : i32
    %c0_i32_1 = arith.constant 0 : i32
    return %c0_i32, %c0_i32_0 : i32, i32
  }
  func.func @transform_7(%arg0: i32) -> (i32, i32) {
    %c0_i32 = arith.constant 0 : i32
    %c0_i32_0 = arith.constant 0 : i32
    %c0_i32_1 = arith.constant 0 : i32
    return %c0_i32, %c0_i32_0 : i32, i32
  }
  func.func @transform_8(%arg0: i32) -> (i32, i32) {
    %c0_i32 = arith.constant 0 : i32
    %c0_i32_0 = arith.constant 0 : i32
    %c0_i32_1 = arith.constant 0 : i32
    return %c0_i32, %c0_i32_0 : i32, i32
  }
  func.func @transform_9(%arg0: i32) -> (i32, i32) {
    %c0_i32 = arith.constant 0 : i32
    %c0_i32_0 = arith.constant 0 : i32
    return %c0_i32, %arg0 : i32, i32
  }
  func.func @transform_10(%arg0: i32) -> (i32, i32) {
    %c0_i32 = arith.constant 0 : i32
    %c0_i32_0 = arith.constant 0 : i32
    return %c0_i32, %arg0 : i32, i32
  }
}

module attributes {stable_mosaic.version = 14 : i64} {
  func.func @_final_body(%arg0: i32, %arg1: memref<128x2048xf32, #tpu.memory_space<vmem>>, %arg2: memref<8x2048xf32, #tpu.memory_space<vmem>>, %arg3: memref<128x8xf32, #tpu.memory_space<vmem>>, %arg4: memref<128x128xf32, #tpu.memory_space<vmem>>, %arg5: memref<1x128xf32, #tpu.memory_space<vmem>>, %arg6: memref<1x128xf32, #tpu.memory_space<vmem>>, %arg7: memref<1x128xf32, #tpu.memory_space<vmem>>, %arg8: memref<2048x128xf32, #tpu.memory_space<vmem>>) attributes {dimension_semantics = [#tpu.dimension_semantics<arbitrary>], iteration_bounds = array<i64: 5>, scalar_prefetch = 0 : i64, scratch_operands = 0 : i64, tpu.core_type = #tpu.core_type<tc>, window_params = [{transform_indices = @transform_0, window_bounds = array<i64: 128, 2048>}, {transform_indices = @transform_1, window_bounds = array<i64: 8, 2048>}, {pipeline_mode = #tpu.pipeline_mode<synchronous>, transform_indices = @transform_2, window_bounds = array<i64: 128, 8>}, {pipeline_mode = #tpu.pipeline_mode<synchronous>, transform_indices = @transform_3, window_bounds = array<i64: 128, 128>}, {pipeline_mode = #tpu.pipeline_mode<synchronous>, transform_indices = @transform_4, window_bounds = array<i64: 1, 128>}, {pipeline_mode = #tpu.pipeline_mode<synchronous>, transform_indices = @transform_5, window_bounds = array<i64: 1, 128>}, {pipeline_mode = #tpu.pipeline_mode<synchronous>, transform_indices = @transform_6, window_bounds = array<i64: 1, 128>}, {transform_indices = @transform_7, window_bounds = array<i64: 2048, 128>}]} {
    %get3A = arith.constant 0 : index
    %get3A_0 = arith.constant 0 : index
    %get3A_1 = vector.load %arg1[%get3A, %get3A_0] : memref<128x2048xf32, #tpu.memory_space<vmem>>, vector<128x2048xf32>
    %get3A_2 = arith.constant 0 : index
    %get3A_3 = arith.constant 0 : index
    %get3A_4 = vector.load %arg3[%get3A_2, %get3A_3] : memref<128x8xf32, #tpu.memory_space<vmem>>, vector<128x8xf32>
    %get3A_5 = arith.constant 0 : index
    %get3A_6 = arith.constant 0 : index
    %get3A_7 = vector.load %arg2[%get3A_5, %get3A_6] : memref<8x2048xf32, #tpu.memory_space<vmem>>, vector<8x2048xf32>
    %dot_general3A = arith.constant dense<0.000000e+00> : vector<128x2048xf32>
    %dot_general3A_8 = tpu.matmul %get3A_4, %get3A_7, %dot_general3A {dimension_numbers = #tpu.dot_dimension_numbers<[1], [0], [0], [1], [0, 0, 1, 1], [], []>, transpose_lhs_hint = false} : vector<128x8xf32>, vector<8x2048xf32>, vector<128x2048xf32> -> vector<128x2048xf32>
    %eq3A = arith.constant 0.000000e+00 : f32
    %eq3A_9 = vector.broadcast %eq3A : f32 to vector<128x2048xf32>
    %eq3A_10 = arith.cmpf oeq, %dot_general3A_8, %eq3A_9 : vector<128x2048xf32>
    %jit3A = arith.constant 1.000000e+00 : f32
    %broadcast_in_dim3A = vector.broadcast %jit3A : f32 to vector<128x2048xf32>
    %select_n3A = arith.select %eq3A_10, %broadcast_in_dim3A, %dot_general3A_8 : vector<128x2048xi1>, vector<128x2048xf32>
    %div3A = arith.divf %get3A_1, %select_n3A : vector<128x2048xf32>
    %get3A_11 = arith.constant 0 : index
    %get3A_12 = arith.constant 0 : index
    %get3A_13 = vector.load %arg4[%get3A_11, %get3A_12] : memref<128x128xf32, #tpu.memory_space<vmem>>, vector<128x128xf32>
    %dot_general3A_14 = arith.constant dense<0.000000e+00> : vector<2048x128xf32>
    %dot_general3A_15 = tpu.matmul %div3A, %get3A_13, %dot_general3A_14 {dimension_numbers = #tpu.dot_dimension_numbers<[0], [0], [1], [1], [0, 1, 1, 1], [], []>, transpose_lhs_hint = false} : vector<128x2048xf32>, vector<128x128xf32>, vector<2048x128xf32> -> vector<2048x128xf32>
    %get3A_16 = arith.constant 0 : index
    %get3A_17 = arith.constant 0 : index
    %get3A_18 = vector.load %arg5[%get3A_16, %get3A_17] : memref<1x128xf32, #tpu.memory_space<vmem>>, vector<1x128xf32>
    %add3A = vector.broadcast %get3A_18 : vector<1x128xf32> to vector<2048x128xf32>
    %add3A_19 = arith.addf %dot_general3A_15, %add3A : vector<2048x128xf32>
    %reduce_sum3A = arith.constant dense<0.000000e+00> : vector<2048xf32>
    %reduce_sum3A_20 = vector.multi_reduction <add>, %add3A_19, %reduce_sum3A [1] : vector<2048x128xf32> to vector<2048xf32>
    %broadcast_in_dim3A_21 = vector.shape_cast %reduce_sum3A_20 : vector<2048xf32> to vector<2048x1xf32>
    %div3A_22 = arith.constant 1.280000e+02 : f32
    %div3A_23 = vector.broadcast %div3A_22 : f32 to vector<2048x1xf32>
    %div3A_24 = arith.divf %broadcast_in_dim3A_21, %div3A_23 : vector<2048x1xf32>
    %sub3A = vector.broadcast %div3A_24 : vector<2048x1xf32> to vector<2048x128xf32>
    %sub3A_25 = arith.subf %add3A_19, %sub3A : vector<2048x128xf32>
    %integer_pow3A = arith.mulf %sub3A_25, %sub3A_25 : vector<2048x128xf32>
    %reduce_sum3A_26 = arith.constant dense<0.000000e+00> : vector<2048xf32>
    %reduce_sum3A_27 = vector.multi_reduction <add>, %integer_pow3A, %reduce_sum3A_26 [1] : vector<2048x128xf32> to vector<2048xf32>
    %broadcast_in_dim3A_28 = vector.shape_cast %reduce_sum3A_27 : vector<2048xf32> to vector<2048x1xf32>
    %div3A_29 = arith.constant 1.280000e+02 : f32
    %div3A_30 = vector.broadcast %div3A_29 : f32 to vector<2048x1xf32>
    %div3A_31 = arith.divf %broadcast_in_dim3A_28, %div3A_30 : vector<2048x1xf32>
    %sub3A_32 = vector.broadcast %div3A_24 : vector<2048x1xf32> to vector<2048x128xf32>
    %sub3A_33 = arith.subf %add3A_19, %sub3A_32 : vector<2048x128xf32>
    %add3A_34 = arith.constant 9.99999974E-6 : f32
    %add3A_35 = vector.broadcast %add3A_34 : f32 to vector<2048x1xf32>
    %add3A_36 = arith.addf %div3A_31, %add3A_35 : vector<2048x1xf32>
    %rsqrt3A = math.rsqrt %add3A_36 : vector<2048x1xf32>
    %mul3A = vector.broadcast %rsqrt3A : vector<2048x1xf32> to vector<2048x128xf32>
    %mul3A_37 = arith.mulf %sub3A_33, %mul3A : vector<2048x128xf32>
    %get3A_38 = arith.constant 0 : index
    %get3A_39 = arith.constant 0 : index
    %get3A_40 = vector.load %arg6[%get3A_38, %get3A_39] : memref<1x128xf32, #tpu.memory_space<vmem>>, vector<1x128xf32>
    %mul3A_41 = vector.broadcast %get3A_40 : vector<1x128xf32> to vector<2048x128xf32>
    %mul3A_42 = arith.mulf %mul3A_37, %mul3A_41 : vector<2048x128xf32>
    %get3A_43 = arith.constant 0 : index
    %get3A_44 = arith.constant 0 : index
    %get3A_45 = vector.load %arg7[%get3A_43, %get3A_44] : memref<1x128xf32, #tpu.memory_space<vmem>>, vector<1x128xf32>
    %add3A_46 = vector.broadcast %get3A_45 : vector<1x128xf32> to vector<2048x128xf32>
    %add3A_47 = arith.addf %mul3A_42, %add3A_46 : vector<2048x128xf32>
    %swap3A = arith.constant 0 : index
    %swap3A_48 = arith.constant 0 : index
    %swap3A_49 = vector.load %arg8[%swap3A, %swap3A_48] : memref<2048x128xf32, #tpu.memory_space<vmem>>, vector<2048x128xf32>
    tpu.vector_store %arg8[%swap3A, %swap3A_48], %add3A_47 {strides = array<i32>} : memref<2048x128xf32, #tpu.memory_space<vmem>>, vector<2048x128xf32>,
    return
  }
  func.func @transform_0(%arg0: i32) -> (i32, i32) {
    %c0_i32 = arith.constant 0 : i32
    %c0_i32_0 = arith.constant 0 : i32
    return %c0_i32, %arg0 : i32, i32
  }
  func.func @transform_1(%arg0: i32) -> (i32, i32) {
    %c0_i32 = arith.constant 0 : i32
    %c0_i32_0 = arith.constant 0 : i32
    return %c0_i32, %arg0 : i32, i32
  }
  func.func @transform_2(%arg0: i32) -> (i32, i32) {
    %c0_i32 = arith.constant 0 : i32
    %c0_i32_0 = arith.constant 0 : i32
    %c0_i32_1 = arith.constant 0 : i32
    return %c0_i32, %c0_i32_0 : i32, i32
  }
  func.func @transform_3(%arg0: i32) -> (i32, i32) {
    %c0_i32 = arith.constant 0 : i32
    %c0_i32_0 = arith.constant 0 : i32
    %c0_i32_1 = arith.constant 0 : i32
    return %c0_i32, %c0_i32_0 : i32, i32
  }
  func.func @transform_4(%arg0: i32) -> (i32, i32) {
    %c0_i32 = arith.constant 0 : i32
    %c0_i32_0 = arith.constant 0 : i32
    %c0_i32_1 = arith.constant 0 : i32
    return %c0_i32, %c0_i32_0 : i32, i32
  }
  func.func @transform_5(%arg0: i32) -> (i32, i32) {
    %c0_i32 = arith.constant 0 : i32
    %c0_i32_0 = arith.constant 0 : i32
    %c0_i32_1 = arith.constant 0 : i32
    return %c0_i32, %c0_i32_0 : i32, i32
  }
  func.func @transform_6(%arg0: i32) -> (i32, i32) {
    %c0_i32 = arith.constant 0 : i32
    %c0_i32_0 = arith.constant 0 : i32
    %c0_i32_1 = arith.constant 0 : i32
    return %c0_i32, %c0_i32_0 : i32, i32
  }
  func.func @transform_7(%arg0: i32) -> (i32, i32) {
    %c0_i32 = arith.constant 0 : i32
    %c0_i32_0 = arith.constant 0 : i32
    return %arg0, %c0_i32 : i32, i32
  }
}

</mosaic_0001>

<sc_bundles>
// kernel: kernel.10.cloned.1.call-start
scs
__scs_entry_jumppad:
0x0: {  	(pc) =	sbr.rel $0x88, $3  }
0x1: {  	(tag) =	ssettag $0x0;
	lr =	simm.s32 $0x1  }
0x2: {  	[smem:$0x3F92] =	sst lr;
	_ =	strace $0xD0000000  }
0x3: {  	_ = 	snop  }
0x4: {  	_ = 	snop  }
0x5: {  	_ = 	snop  }
0x6: {  	_ = 	snop  }
0x7: {  	_ = 	snop  }
__scs_overlays_trampoline_lowered:
0x8: {  	[smem:$0x3FA1] =	sst s0  }
0x9: {  	[smem:$0x3FA2] =	sst s1  }
0xa: {  	[smem:$0x3FA3] =	sst s2  }
0xb: {  	[smem:$0x3FA4] =	sst s3  }
0xc: {  	[smem:$0x3FA5] =	sst s4  }
0xd: {  	[smem:$0x3FA6] =	sst s5  }
0xe: {  	[smem:$0x3FA7] =	sst s6  }
0xf: {  	[smem:$0x3FA8] =	sst s7  }
0x10: {  	[smem:$0x3FA9] =	sst s8  }
0x11: {  	[smem:$0x3FAA] =	sst s9;
	s0 =	simm.s32 @!p0 $0x0  }
0x12: {  	s1 =	sld [smem:$0x3F90];
	s0 =	simm.s32 @p0 $0x1  }
0x13: {  	[smem:$0x3FAB] =	sst s0;
	s0 =	simm.s32 @!p1 $0x0  }
0x14: {  	s2 =	sld [smem:$0x3F8F];
	s0 =	simm.s32 @p1 $0x1  }
0x15: {  	[smem:$0x3FAC] =	sst s0;
	s0 =	simm.s32 @!p2 $0x0  }
0x16: {  	s3 =	sld [smem:$0x3FDB];
	s0 =	simm.s32 @p2 $0x1  }
0x17: {  	s4 =	simm.s32 $0x1BF5;
	[smem:$0x3FAE] =	sst s0  }
0x18: {  	s0 =	sld [smem:$0x3F91];
	_ =	swait.ge [sflag:s4], $0x0  }
0x19: {  	s7 =	sld [smem:$0x3F92]  }
0x1a: {  	s8 =	sadd.s32 $0xFFFFE003, lr  }
0x1b: {  	s9 =	sadd.s32 $0xFFFFFEF7, lr;
	s5 =	simm.s32 $0xFFFFFFFF;
	p2 =	slt.u32 s8, $0xFFFFF086  }
0x1c: {  	p1 =	slt.u32 s9, $0xF7A;
	s5 =	simm.s32 @!p2 $0x0  }
0x1d: {  	s5 =	simm.s32 @p1 $0x1;
	p0 =	seq.s32 s7, s2  }
0x1e: {  	s7 =	smul.u32 @!p0 $0xF7A, s2;
	p2 =	seq.s32 @!p0 s5, $0x0  }
0x1f: {  	s9 =	smul.u32 $0xF7A, s1;
	s8 =	simm.s32 @!p0 $0x1BF5;
	p2 =	por !p2, p0  }
0x20: {  	[sflag:s8] =	ssyncset.s32 @!p0 $0xFFFFF086;
	s6 =	sadd.s32 @!p0 s3, s7;
	s7 =	simm.s32 @!p0 $0x108  }
0x21: {  	s3 =	sadd.s32 s3, s9;
	s6 =	sadd.s32 @!p0 $0x88, s6;
	s7 =	simm.s32 @p2 $0x1082  }
0x22: {  	[simem:s7], [sflag:s8] =	dma.local @!p0 [hbm:s6], $0xF7A  }
0x23: {  	s9 =	sor.u32 $0xD0000000, s2;
	s6 =	simm.s32 $0x108;
	_ =	swait.ge @!p0 [sflag:s8], $0x0  }
0x24: {  	s3 =	sadd.s32 $0x88, s3;
	s6 =	simm.s32 @!p1 $0x1082;
	[sflag:s4] =	ssyncset.s32 $0xFFFFF086  }
0x25: {  	[simem:s6], [sflag:s4] =	dma.local [hbm:s3], $0xF7A  }
0x26: {  	[smem:$0x3F92] =	sst s1;
	(tag) =	ssettag s2;
	_ =	strace s9  }
0x27: {  	s1 =	sld [smem:$0x3FA2]  }
0x28: {  	s2 =	sld [smem:$0x3FA3]  }
0x29: {  	s4 =	sld [smem:$0x3FA5]  }
0x2a: {  	p0 =	seq.s32 s5, $0x0;
	s5 =	sld [smem:$0x3FA6]  }
0x2b: {  	s6 =	sld [smem:$0x3FA7]  }
0x2c: {  	s7 =	sld [smem:$0x3FA8]  }
0x2d: {  	s3 =	simm.s32 $0x108;
	s8 =	sld [smem:$0x3FA9]  }
0x2e: {  	s3 =	simm.s32 @!p0 $0x1082;
	s9 =	sld [smem:$0x3FAA]  }
0x2f: {  	lr =	sadd.s32 s0, s3;
	s0 =	sld [smem:$0x3FA1]  }
0x30: {  	s3 =	sld [smem:$0x3FA4]  }
0x31: {  	[smem:$0x3FAD] =	sst s10  }
0x32: {  	s10 =	sld [smem:$0x3FAB];
	_ =	sdelay $0x3  }
0x33: {  	p0 =	seq.s32 s10, $0x1;
	s10 =	sld [smem:$0x3FAD];
	_ =	sdelay $0x3  }
0x34: {  	[smem:$0x3FAD] =	sst s10  }
0x35: {  	s10 =	sld [smem:$0x3FAC];
	_ =	sdelay $0x3  }
0x36: {  	p1 =	seq.s32 s10, $0x1;
	s10 =	sld [smem:$0x3FAD];
	_ =	sdelay $0x3  }
0x37: {  	[smem:$0x3FAD] =	sst s10  }
0x38: {  	s10 =	sld [smem:$0x3FAE]  }
0x39: {  	_ = 	snop;
	(pc) =	sbr.ind lr, $3  }
0x3a: {  	_ = 	snop  }
0x3b: {  	_ = 	snop  }
0x3c: {  	p2 =	seq.s32 s10, $0x1;
	s10 =	sld [smem:$0x3FAD]  }
0x3d: {  	_ =	shalt  }
0x3e: {  	_ =	shalt  }
0x3f: {  	_ =	shalt  }
0x40: {  	_ =	shalt  }
0x41: {  	_ =	shalt  }
0x42: {  	_ =	shalt  }
0x43: {  	_ =	shalt  }
0x44: {  	_ =	shalt  }
0x45: {  	_ =	shalt  }
0x46: {  	_ =	shalt  }
0x47: {  	_ =	shalt  }
0x48: {  	_ =	shalt  }
0x49: {  	_ =	shalt  }
0x4a: {  	_ =	shalt  }
0x4b: {  	_ =	shalt  }
0x4c: {  	_ =	shalt  }
0x4d: {  	_ =	shalt  }
0x4e: {  	_ =	shalt  }
0x4f: {  	_ =	shalt  }
0x50: {  	_ =	shalt  }
0x51: {  	_ =	shalt  }
0x52: {  	_ =	shalt  }
0x53: {  	_ =	shalt  }
0x54: {  	_ =	shalt  }
0x55: {  	_ =	shalt  }
0x56: {  	_ =	shalt  }
0x57: {  	_ =	shalt  }
0x58: {  	_ =	shalt  }
0x59: {  	_ =	shalt  }
0x5a: {  	_ =	shalt  }
0x5b: {  	_ =	shalt  }
0x5c: {  	_ =	shalt  }
0x5d: {  	_ =	shalt  }
0x5e: {  	_ =	shalt  }
0x5f: {  	_ =	shalt  }
0x60: {  	_ =	shalt  }
0x61: {  	_ =	shalt  }
0x62: {  	_ =	shalt  }
0x63: {  	_ =	shalt  }
0x64: {  	_ =	shalt  }
0x65: {  	_ =	shalt  }
0x66: {  	_ =	shalt  }
0x67: {  	_ =	shalt  }
0x68: {  	_ =	shalt  }
0x69: {  	_ =	shalt  }
0x6a: {  	_ =	shalt  }
0x6b: {  	_ =	shalt  }
0x6c: {  	_ =	shalt  }
0x6d: {  	_ =	shalt  }
0x6e: {  	_ =	shalt  }
0x6f: {  	_ =	shalt  }
0x70: {  	_ =	shalt  }
0x71: {  	_ =	shalt  }
0x72: {  	_ =	shalt  }
0x73: {  	_ =	shalt  }
0x74: {  	_ =	shalt  }
0x75: {  	_ =	shalt  }
0x76: {  	_ =	shalt  }
0x77: {  	_ =	shalt  }
0x78: {  	_ =	shalt  }
0x79: {  	_ =	shalt  }
0x7a: {  	_ =	shalt  }
0x7b: {  	_ =	shalt  }
0x7c: {  	_ =	shalt  }
0x7d: {  	_ =	shalt  }
0x7e: {  	_ =	shalt  }
0x7f: {  	_ =	shalt  }
0x80: {  	_ =	shalt  }
0x81: {  	_ =	shalt  }
0x82: {  	_ =	shalt  }
0x83: {  	_ =	shalt  }
0x84: {  	_ =	shalt  }
0x85: {  	_ =	shalt  }
0x86: {  	_ =	shalt  }
0x87: {  	_ =	shalt  }
.Lfunc_end0:
.L_simem_size_0:
called_computation.1_lowered:
.L_overlay_start_0:
0x88: {  	s2 =	sld [smem:$0x3FD9]  }
0x89: {  	s3 =	sld [smem:$0x3FFE];
	_ =	sdelay $0x1  }
0x8a: {  	s1 =	srdreg.scid  }
0x8b: {  	s0 =	sand.u32 $0x1, s1  }
0x8c: {  	s17 =	sshll.u32 s0, $0xA;
	s2 =	sadd.s32 s3, s2  }
0x8d: {  	s2 =	sadd.s32 s2, s17  }
0x8e: {  	[smem:$0x3FB9] =	sst s2  }
0x8f: {  	_ = 	snop  }
0x90: {  	s2 =	sld [smem:$0x3FD0];
	(tm) =	ssettm $0x1  }
0x91: {  	s18 =	sld [smem:$0x3FFB];
	_ =	sdelay $0x3  }
0x92: {  	_ =	strace s18  }
0x93: {  	s3 =	sld [smem:$0x3FFC];
	_ =	sdelay $0x3  }
0x94: {  	_ =	strace s3  }
0x95: {  	s3 =	sld [smem:$0x3FFD];
	_ =	sdelay $0x3  }
0x96: {  	_ =	strace s3  }
0x97: {  	_ =	strace $0x8FFFFFFF  }
0x98: {  	s19 =	sld [smem:$0x3FDB];
	_ =	sdelay $0x1  }
0x99: {  	s4 =	simm.s32 $_scs_section_size  }
0x9a: {  	s5 =	simm.s32 $_size__tile_overlayer_lowered;
	s6 =	simm.s32 $_tile_overlayer_lowered  }
0x9b: {  	s22 =	simm.s32 $0x1BFF;
	s21 =	sshll.u32 s6, $0x1;
	s3 =	sadd.s32 s4, s19  }
0x9c: {  	s7 =	simm.s32 $0x0;
	s20 =	sshll.u32 s5, $0x1;
	s5 =	sadd.s32 s21, s3  }
0x9d: {  	[timem:s7], [sflag:s22] =	dma.local [hbm:s5], s20  }
0x9e: {  	_ =	swait.ge [sflag:s22], s20  }
0x9f: {  	s4 =	ssub.s32 $0x0, s20;
	[sflag:s22] =	ssyncset.done $0x0  }
0xa0: {  	[sflag:s22] =	ssyncadd.s32 s4;
	_ =	sdelay $0x1  }
0xa1: {  	s23 =	simm.s32 $0x1B8B  }
0xa2: {  	_ =	swait.ge [sflag:s23], $0x1  }
0xa3: {  	[sflag:s23] =	ssyncset.done $0x0  }
0xa4: {  	s25 =	simm.s32 $0x1B8E;
	s24 =	sld [smem:$0x3FFE];
	[sflag:s23] =	ssyncadd.s32 $0xFFFFFFFF  }
0xa5: {  	s26 =	simm.s32 $execute0_lowered;
	[smem:$0x3FD2] =	sst s25  }
0xa6: {  	s5 =	sshll.u32 s26, $0x1;
	_ =	strace $0x80000049;
	[dreg:$0x1] =	wrdreg $0xFFFFFFFF  }
0xa7: {  	s28 =	simm.s32 $_size_execute0_lowered;
	s3 =	sadd.s32 s3, s5;
	[dreg:$0x0] =	wrdreg $0x0  }
0xa8: {  	s5 =	sshll.u32 s28, $0x1;
	[dreg:$0x2] =	wrdreg s3  }
0xa9: {  	[dreg:$0x3] =	wrdreg s5  }
0xaa: {  	[dreg:$0x4] =	wrdreg $0xC0  }
0xab: {  	_ =	task [dreg:s7], $0x5FFFF  }
0xac: {  	[dreg:$0x1] =	wrdreg $0xFFFFFFFF  }
0xad: {  	[dreg:$0x0] =	wrdreg $0x60  }
0xae: {  	[dreg:$0x2] =	wrdreg s24  }
0xaf: {  	[dreg:$0x3] =	wrdreg s2  }
0xb0: {  	[dreg:$0x4] =	wrdreg $0x9  }
0xb1: {  	_ =	task.clear_ibuf [dreg:s7], $0x5FFFF;
	_ =	strace $0x90000049  }
0xb2: {  	s29 =	simm.s32 $0x9;
	_ =	strace $0x8000004B  }
0xb3: {  	_ =	swait.ge [sflag:s29], $0x1  }
0xb4: {  	[sflag:s29] =	ssyncadd.s32 $0xFFFFFFFF  }
0xb5: {  	_ =	strace $0x9000004B  }
0xb6: {  	_ =	sfence  }
0xb7: {  	s30 =	sld [smem:$0x0];
	_ =	sdelay $0x2  }
0xb8: {  	s31 =	sshll.u32 s1, $0xD;
	s1 =	sshrl.u32 s1, $0x2  }
0xb9: {  	s3 =	sand.u32 $0x4000, s31;
	s1 =	sadd.s32 s1, s30  }
0xba: {  	s0 =	sor.u32 s3, s0;
	s1 =	sshll.u32 s1, $0x11  }
0xbb: {  	s0 =	sor.u32 s1, s0  }
0xbc: {  	s0 =	sadd.s32 $0x8F2B, s0  }
0xbd: {  	[sflag:s0] =	ssyncadd.remote.s32 $0x1  }
0xbe: {  	_ =	sfence.sel $0xFFFF  }
0xbf: {  	[dreg:$0x0] =	wrdreg $0xFFFFFFFF;
	(pc) =	sbr.abs _section_cstart, $3  }
0xc0: {  	[dreg:$0x1] =	wrdreg $0xFFFFFFFF  }
0xc1: {  	_ =	task.clear_ibuf [dreg:s7], $0x2FFFF;
	_ =	strace $0x9FFFFFFF  }
0xc2: {  	(tm) =	ssettm $0x7FFFFFFF  }
0xc3: {  	_ =	shalt  }
tec
execute0_lowered:
.L_overlay_start_1:
0x0: {  	(tag) =	ssettag $0x1  }
0x1: {  	s0 =	rddreg [dreg:$0x0]  }
0x2: {  	s1 =	rddreg [dreg:$0x1]  }
0x3: {  	s2 =	simm.s32 $0x0;
	s4 =	srdreg.scid;
	s24 =	stileid.u32  }
0x4: {  	s18 =	simm.s32 $0xBB80;
	s19 =	simm.s32 $0x1;
	s20 =	simm.s32 $0xE380  }
0x5: {  	s21 =	simm.s32 $0x10B80;
	s22 =	simm.s32 $0x13380;
	s23 =	simm.s32 $0x15B80  }
0x6: {  	s25 =	simm.s32 $0x3E80;
	s26 =	simm.s32 $0x5DC0;
	s28 =	simm.s32 $0x7D00  }
0x7: {  	s29 =	simm.s32 $0x0;
	s7 =	sand.u32 $0x1, s4;
	s6 =	sshll.u32 s24, $0x1  }
0x8: {  	[smem:$0x7FF] =	sst s2;
	s3 =	sadd.s32 $0x18400, s0;
	s12 =	sor.u32 s7, s6  }
0x9: {  	s4 =	sadd.s32 $0x4FA400, s0;
	s8 =	ssub.s32 $0x2, s7;
	s7 =	smul.u32 $0x138800, s12  }
0xa: {  	s5 =	sadd.s32 $0xE600, s0;
	p0 =	sgt.u32 s24, $0x3;
	s11 =	smul.u32 $0xA000, s12  }
0xb: {  	s24 =	simm.s32 $0x1F40;
	_ =	strace $0x8000004A;
	s13 =	smul.u32 $0x1400, s12  }
0xc: {  	s6 =	sadd.s32 $0x4800, s0;
	s9 =	sshrl.u32 s8, $0x1;
	s16 =	smul.u32 $0x500, s12  }
.Ltmp0:
0xd: {  	s0 =	sadd.s32 $0x548600, s0;
	s17 =	ssub.s32 s8, s9;
	(pc) =	sbr.rel .LBB2_1-.Ltmp0, $4  }
0xe: {  	s9 =	smul.u32 $0x4E200, s12;
	s8 =	sadd.s32 $0x4E200, s7;
	s10 =	sadd.s32 $0x9C400, s7  }
0xf: {  	s14 =	sshrl.u32 s11, $0x3;
	s11 =	sadd.s32 $0xEA600, s7;
	s12 =	sadd.s32 s0, s13  }
0x10: {  	s16 =	sadd.s32 s1, s16;
	s17 =	smax.u32 s17, $0x1;
	s15 =	sadd.s32 s0, s14  }
0x11: {  	s13 =	sadd.s32 $0x500, s15;
	s14 =	sadd.s32 $0xA00, s15;
	s15 =	sadd.s32 $0xF00, s15  }
.LBB2_8:
0x12: {  	[hbm4b:s12+s2] =	stream.linear.scatter [tilespmem:s18], [sflag:$0x1], $0x2800, $0x38;
	[tilespmem:$0x18380] =	vst v63  }
0x13: {  	_ =	swait.ge [sflag:s19], $0x2800  }
0x14: {  	[sflag:s19] =	ssyncset.done $0x0  }
0x15: {  	[sflag:s19] =	ssyncadd.s32 $0xFFFFD800  }
0x16: {  	[hbm4b:s13+s2] =	stream.linear.scatter [tilespmem:s20], [sflag:$0x1], $0x2800, $0x38;
	[tilespmem:$0x18380] =	vst v63  }
0x17: {  	_ =	swait.ge [sflag:s19], $0x2800  }
0x18: {  	[sflag:s19] =	ssyncset.done $0x0  }
0x19: {  	[sflag:s19] =	ssyncadd.s32 $0xFFFFD800  }
0x1a: {  	[hbm4b:s14+s2] =	stream.linear.scatter [tilespmem:s21], [sflag:$0x1], $0x2800, $0x38;
	[tilespmem:$0x18380] =	vst v63  }
0x1b: {  	_ =	swait.ge [sflag:s19], $0x2800  }
0x1c: {  	[sflag:s19] =	ssyncset.done $0x0  }
0x1d: {  	[sflag:s19] =	ssyncadd.s32 $0xFFFFD800  }
0x1e: {  	[hbm4b:s15+s2] =	stream.linear.scatter [tilespmem:s22], [sflag:$0x1], $0x2800, $0x38;
	[tilespmem:$0x18380] =	vst v63  }
0x1f: {  	_ =	swait.ge [sflag:s19], $0x2800  }
0x20: {  	s0 =	simm.s32 @!p0 $0x0;
	s29 =	sadd.s32 $0x1, s29;
	[sflag:s19] =	ssyncset.done $0x0  }
0x21: {  	s1 =	simm.s32 @!p0 $0x15B80;
	p1 =	sne.s32 s29, s17;
	[sflag:s19] =	ssyncadd.s32 $0xFFFFD800  }
0x22: {  	[hbm4b:s16+s0] =	stream.linear.scatter @!p0 [tilespmem:s1], [sflag:$0x1], $0x2800, $0x38;
	[tilespmem:$0x18380] =	vst v63  }
.Ltmp1:
0x23: {  	_ = 	snop;
	(pc) =	sbr.rel @!p1 .LBB2_9-.Ltmp1, $4  }
0x24: {  	s0 =	simm.s32 @!p0 $0x1  }
0x25: {  	_ =	swait.ge @!p0 [sflag:s0], $0x2800  }
0x26: {  	[sflag:s0] =	ssyncset.done @!p0 $0x0  }
0x27: {  	[sflag:s0] =	ssyncadd.s32 @!p0 $0xFFFFD800  }
.LBB2_1:
0x28: {  	[tilespmem:s18], [sflag:$0x1] =	stream.linear.gather [hbm4b:s6+s2], $0x2800, $0x38;
	[tilespmem:$0x18380] =	vst v63  }
0x29: {  	_ =	swait.ge [sflag:s19], $0x2800  }
0x2a: {  	[sflag:s19] =	ssyncset.done $0x0  }
0x2b: {  	[sflag:s19] =	ssyncadd.s32 $0xFFFFD800  }
0x2c: {  	[tilespmem:s20], [sflag:$0x1] =	stream.linear.gather [hbm4b:s6+s2], $0x2800, $0x38;
	[tilespmem:$0x18380] =	vst v63  }
0x2d: {  	_ =	swait.ge [sflag:s19], $0x2800  }
0x2e: {  	[sflag:s19] =	ssyncset.done $0x0  }
0x2f: {  	[sflag:s19] =	ssyncadd.s32 $0xFFFFD800  }
0x30: {  	[tilespmem:s21], [sflag:$0x1] =	stream.linear.gather [hbm4b:s6+s2], $0x2800, $0x38;
	[tilespmem:$0x18380] =	vst v63  }
0x31: {  	_ =	swait.ge [sflag:s19], $0x2800  }
0x32: {  	[sflag:s19] =	ssyncset.done $0x0  }
0x33: {  	[sflag:s19] =	ssyncadd.s32 $0xFFFFD800  }
0x34: {  	[tilespmem:s22], [sflag:$0x1] =	stream.linear.gather [hbm4b:s6+s2], $0x2800, $0x38;
	[tilespmem:$0x18380] =	vst v63  }
0x35: {  	_ =	swait.ge [sflag:s19], $0x2800  }
0x36: {  	[sflag:s19] =	ssyncset.done $0x0  }
.Ltmp2:
0x37: {  	[sflag:s19] =	ssyncadd.s32 $0xFFFFD800;
	(pc) =	sbr.rel .LBB2_2-.Ltmp2, $4  }
0x38: {  	[tilespmem:s23], [sflag:$0x1] =	stream.linear.gather [hbm4b:s6+s2], $0x2800, $0x38;
	[tilespmem:$0x18380] =	vst v63  }
0x39: {  	_ =	swait.ge [sflag:s19], $0x2800  }
0x3a: {  	[sflag:s19] =	ssyncset.done $0x0  }
0x3b: {  	s30 =	simm.s32 $0x0;
	[sflag:s19] =	ssyncadd.s32 $0xFFFFD800  }
.LBB2_7:
0x3c: {  	s30 =	sadd.s32 $0x1, s30  }
0x3d: {  	p1 =	sne.s32 s30, $0x28  }
.Ltmp3:
0x3e: {  	_ = 	snop;
	(pc) =	sbr.rel @!p1 .LBB2_8-.Ltmp3, $1  }
0x3f: {  	_ =	sdelay $0x3  }
.LBB2_2:
0x40: {  	s0 =	smul.u32 $0x1F40, s30;
	_ =	sdelay $0x1  }
0x41: {  	s1 =	sshrl.u32 s0, $0x3  }
0x42: {  	s1 =	sadd.s32 s5, s1  }
0x43: {  	[tilespmem:s2], [sflag:$0x1] =	stream.linear.gather [hbm4b:s1+s2], $0x1F40, $0x38;
	[tilespmem:$0x18380] =	vst v63  }
0x44: {  	s1 =	sadd.s32 s7, s0;
	_ =	swait.ge [sflag:s19], $0x1F40  }
0x45: {  	s1 =	sshrl.u32 s1, $0x3;
	[sflag:s19] =	ssyncset.done $0x0  }
0x46: {  	s1 =	sadd.s32 s3, s1;
	[sflag:s19] =	ssyncadd.s32 $0xFFFFE0C0  }
0x47: {  	[tilespmem:s24], [sflag:$0x1] =	stream.linear.gather [hbm4b:s1+s2], $0x1F40, $0x38;
	[tilespmem:$0x18380] =	vst v63  }
0x48: {  	s1 =	sadd.s32 s8, s0;
	_ =	swait.ge [sflag:s19], $0x1F40  }
0x49: {  	s1 =	sshrl.u32 s1, $0x3;
	[sflag:s19] =	ssyncset.done $0x0  }
0x4a: {  	s1 =	sadd.s32 s3, s1;
	[sflag:s19] =	ssyncadd.s32 $0xFFFFE0C0  }
0x4b: {  	[tilespmem:s25], [sflag:$0x1] =	stream.linear.gather [hbm4b:s1+s2], $0x1F40, $0x38;
	[tilespmem:$0x18380] =	vst v63  }
0x4c: {  	s1 =	sadd.s32 s10, s0;
	_ =	swait.ge [sflag:s19], $0x1F40  }
0x4d: {  	s1 =	sshrl.u32 s1, $0x3;
	[sflag:s19] =	ssyncset.done $0x0  }
0x4e: {  	s1 =	sadd.s32 s3, s1;
	[sflag:s19] =	ssyncadd.s32 $0xFFFFE0C0  }
0x4f: {  	[tilespmem:s26], [sflag:$0x1] =	stream.linear.gather [hbm4b:s1+s2], $0x1F40, $0x38;
	[tilespmem:$0x18380] =	vst v63  }
0x50: {  	s1 =	sadd.s32 s11, s0;
	_ =	swait.ge [sflag:s19], $0x1F40  }
0x51: {  	s1 =	sshrl.u32 s1, $0x3;
	[sflag:s19] =	ssyncset.done $0x0  }
0x52: {  	s1 =	sadd.s32 s3, s1;
	[sflag:s19] =	ssyncadd.s32 $0xFFFFE0C0  }
0x53: {  	[tilespmem:s28], [sflag:$0x1] =	stream.linear.gather [hbm4b:s1+s2], $0x1F40, $0x38;
	[tilespmem:$0x18380] =	vst v63  }
0x54: {  	s0 =	sadd.s32 @!p0 s9, s0;
	_ =	swait.ge [sflag:s19], $0x1F40  }
0x55: {  	s31 =	simm.s32 @!p0 $0x9C40;
	s0 =	sshrl.u32 @!p0 s0, $0x3;
	[sflag:s19] =	ssyncset.done $0x0  }
0x56: {  	s0 =	sadd.s32 @!p0 s4, s0;
	s1 =	simm.s32 @!p0 $0x0;
	[sflag:s19] =	ssyncadd.s32 $0xFFFFE0C0  }
0x57: {  	[tilespmem:s31], [sflag:$0x1] =	stream.linear.gather @!p0 [hbm4b:s0+s1], $0x1F40, $0x38;
	[tilespmem:$0x18380] =	vst v63  }
0x58: {  	s0 =	simm.s32 @!p0 $0x1  }
0x59: {  	_ =	swait.ge @!p0 [sflag:s0], $0x1F40  }
0x5a: {  	s31 =	simm.s32 $0xFFFFFFFC;
	[sflag:s0] =	ssyncset.done @!p0 $0x0  }
0x5b: {  	s1 =	simm.s32 $0x20;
	[sflag:s0] =	ssyncadd.s32 @!p0 $0xFFFFE0C0;
	s0 =	simm.s32 $0x1F40  }
.LBB2_3:
0x5c: {  	v0 =	vld [tilespmem:s1+$0xFFFFFFE0];
	_ =	sdelay $0x2  }
0x5d: {  	v1 =	vld [tilespmem:s0+$0x0];
	_ =	sdelay $0x4  }
0x5e: {  	[tilespmem:v0+s18+$0x0] =	vst.idx.add.f32.msk $0xffff, v1  }
0x5f: {  	v1 =	vld [tilespmem:s0+$0x1F40];
	_ =	sdelay $0x4  }
0x60: {  	[tilespmem:v0+s20+$0x0] =	vst.idx.add.f32.msk $0xffff, v1  }
0x61: {  	v1 =	vld [tilespmem:s0+$0x3E80];
	_ =	sdelay $0x4  }
0x62: {  	[tilespmem:v0+s21+$0x0] =	vst.idx.add.f32.msk $0xffff, v1  }
0x63: {  	v1 =	vld [tilespmem:s0+$0x5DC0];
	_ =	sdelay $0x4  }
0x64: {  	[tilespmem:v0+s22+$0x0] =	vst.idx.add.f32.msk $0xffff, v1  }
0x65: {  	v0 =	vld [tilespmem:s1+$0xFFFFFFF0];
	_ =	sdelay $0x2  }
0x66: {  	v1 =	vld [tilespmem:s0+$0x10];
	_ =	sdelay $0x4  }
0x67: {  	[tilespmem:v0+s18+$0x0] =	vst.idx.add.f32.msk $0xffff, v1  }
0x68: {  	v1 =	vld [tilespmem:s0+$0x1F50];
	_ =	sdelay $0x4  }
0x69: {  	[tilespmem:v0+s20+$0x0] =	vst.idx.add.f32.msk $0xffff, v1  }
0x6a: {  	v1 =	vld [tilespmem:s0+$0x3E90];
	_ =	sdelay $0x4  }
0x6b: {  	[tilespmem:v0+s21+$0x0] =	vst.idx.add.f32.msk $0xffff, v1  }
0x6c: {  	v1 =	vld [tilespmem:s0+$0x5DD0];
	_ =	sdelay $0x4  }
0x6d: {  	[tilespmem:v0+s22+$0x0] =	vst.idx.add.f32.msk $0xffff, v1  }
0x6e: {  	v0 =	vld [tilespmem:s1+$0x0];
	_ =	sdelay $0x2  }
0x6f: {  	v1 =	vld [tilespmem:s0+$0x20];
	_ =	sdelay $0x4  }
0x70: {  	[tilespmem:v0+s18+$0x0] =	vst.idx.add.f32.msk $0xffff, v1  }
0x71: {  	v1 =	vld [tilespmem:s0+$0x1F60];
	_ =	sdelay $0x4  }
0x72: {  	[tilespmem:v0+s20+$0x0] =	vst.idx.add.f32.msk $0xffff, v1  }
0x73: {  	v1 =	vld [tilespmem:s0+$0x3EA0];
	_ =	sdelay $0x4  }
0x74: {  	[tilespmem:v0+s21+$0x0] =	vst.idx.add.f32.msk $0xffff, v1  }
0x75: {  	v1 =	vld [tilespmem:s0+$0x5DE0];
	_ =	sdelay $0x4  }
0x76: {  	[tilespmem:v0+s22+$0x0] =	vst.idx.add.f32.msk $0xffff, v1  }
0x77: {  	v0 =	vld [tilespmem:s1+$0x10];
	_ =	sdelay $0x2  }
0x78: {  	v1 =	vld [tilespmem:s0+$0x30];
	_ =	sdelay $0x4  }
0x79: {  	[tilespmem:v0+s18+$0x0] =	vst.idx.add.f32.msk $0xffff, v1  }
0x7a: {  	v1 =	vld [tilespmem:s0+$0x1F70];
	_ =	sdelay $0x4  }
0x7b: {  	[tilespmem:v0+s20+$0x0] =	vst.idx.add.f32.msk $0xffff, v1  }
0x7c: {  	v1 =	vld [tilespmem:s0+$0x3EB0];
	_ =	sdelay $0x4  }
0x7d: {  	s31 =	sadd.s32 $0x4, s31;
	[tilespmem:v0+s21+$0x0] =	vst.idx.add.f32.msk $0xffff, v1  }
0x7e: {  	p1 =	slt.u32 s31, $0x1F0;
	v1 =	vld [tilespmem:s0+$0x5DF0]  }
.Ltmp4:
0x7f: {  	_ = 	snop;
	(pc) =	sbr.rel @p1 .LBB2_3-.Ltmp4, $2  }
0x80: {  	_ =	sdelay $0x2  }
0x81: {  	s1 =	sadd.s32 $0x40, s1;
	s0 =	sadd.s32 $0x40, s0;
	[tilespmem:v0+s22+$0x0] =	vst.idx.add.f32.msk $0xffff, v1  }
.Ltmp5:
0x82: {  	(pc) =	sbr.rel @p0 .LBB2_7-.Ltmp5, $1  }
0x83: {  	_ =	sdelay $0x3  }
0x84: {  	s0 =	simm.s32 $0xFFFFFFFC;
	s1 =	simm.s32 $0x20;
	s31 =	simm.s32 $0x9C60  }
.LBB2_6:
0x85: {  	v0 =	vld [tilespmem:s1+$0xFFFFFFE0];
	_ =	sdelay $0x2  }
0x86: {  	v1 =	vld [tilespmem:s31+$0xFFFFFFE0];
	_ =	sdelay $0x4  }
0x87: {  	[tilespmem:v0+s23+$0x0] =	vst.idx.add.f32.msk $0xffff, v1  }
0x88: {  	v0 =	vld [tilespmem:s1+$0xFFFFFFF0];
	_ =	sdelay $0x2  }
0x89: {  	v1 =	vld [tilespmem:s31+$0xFFFFFFF0];
	_ =	sdelay $0x4  }
0x8a: {  	[tilespmem:v0+s23+$0x0] =	vst.idx.add.f32.msk $0xffff, v1  }
0x8b: {  	v0 =	vld [tilespmem:s1+$0x0];
	_ =	sdelay $0x2  }
0x8c: {  	v1 =	vld [tilespmem:s31+$0x0];
	_ =	sdelay $0x4  }
0x8d: {  	[tilespmem:v0+s23+$0x0] =	vst.idx.add.f32.msk $0xffff, v1  }
0x8e: {  	v0 =	vld [tilespmem:s1+$0x10];
	_ =	sdelay $0x1  }
0x8f: {  	s0 =	sadd.s32 $0x4, s0  }
0x90: {  	p1 =	slt.u32 s0, $0x1F0;
	v1 =	vld [tilespmem:s31+$0x10]  }
.Ltmp6:
0x91: {  	_ = 	snop;
	(pc) =	sbr.rel @p1 .LBB2_6-.Ltmp6, $2  }
0x92: {  	_ =	sdelay $0x2  }
0x93: {  	s1 =	sadd.s32 $0x40, s1;
	s31 =	sadd.s32 $0x40, s31;
	[tilespmem:v0+s23+$0x0] =	vst.idx.add.f32.msk $0xffff, v1  }
.Ltmp7:
0x94: {  	_ = 	snop;
	(pc) =	sbr.rel .LBB2_7-.Ltmp7, $1  }
0x95: {  	_ =	sdelay $0x3  }
.LBB2_9:
0x96: {  	_ =	sfence.sel $0x180000  }
0x97: {  	[bflag:$0x0] =	sbarrier.arrive $0xFFFF  }
0x98: {  	_ =	strace $0x9000004A  }
0x99: {  	s0 =	stileid.u32;
	[bflag:$0x2] =	sbarrier.arrive $0xFFFF  }
0x9a: {  	p0 =	sne.s32 s0, $0x0;
	s0 =	rddreg [dreg:$0x2]  }
0x9b: {  	s0 =	sadd.s32 @!p0 $0x100000, s0  }
0x9c: {  	[sflag:s0] =	ssyncadd.tile.s32 @!p0 $0x1;
	_ =	shalt  }
.Lfunc_end2:
_tile_overlayer_lowered:
.L_overlay_start_2:
0x9d: {  	(tag) =	ssettag $0x2  }
0x9e: {  	s0 =	rddreg [dreg:$0x0];
	s2 =	stileid.u32  }
0x9f: {  	s1 =	rddreg [dreg:$0x1];
	p0 =	sne.s32 s2, $0x0  }
0xa0: {  	s3 =	rddreg [dreg:$0x2];
	[bflag:$0x3] =	sbarrier.arrive $0xFFFF;
	s2 =	simm.s32 @!p0 $0x1C01  }
0xa1: {  	[timem:s3], [sflag:s2] =	dma.local @!p0 [hbm:s0], s1  }
0xa2: {  	s0 =	simm.s32 @!p0 $0x1  }
0xa3: {  	_ =	swait.ge @!p0 [sflag:s0], s1  }
0xa4: {  	s1 =	ssub.s32 @!p0 $0x0, s1;
	[sflag:s0] =	ssyncset.done @!p0 $0x0  }
0xa5: {  	[sflag:s0] =	ssyncadd.s32 @!p0 s1  }
0xa6: {  	[bflag:$0x3] =	sbarrier.arrive $0xFFFF  }
0xa7: {  	_ =	shalt  }

// kernel: kernel.7.cloned.1.call-start
scs
__scs_entry_jumppad:
0x0: {  	(pc) =	sbr.rel $0x88, $3  }
0x1: {  	(tag) =	ssettag $0x0;
	lr =	simm.s32 $0x1  }
0x2: {  	[smem:$0x3F92] =	sst lr;
	_ =	strace $0xD0000000  }
0x3: {  	_ = 	snop  }
0x4: {  	_ = 	snop  }
0x5: {  	_ = 	snop  }
0x6: {  	_ = 	snop  }
0x7: {  	_ = 	snop  }
__scs_overlays_trampoline_lowered:
0x8: {  	[smem:$0x3FA1] =	sst s0  }
0x9: {  	[smem:$0x3FA2] =	sst s1  }
0xa: {  	[smem:$0x3FA3] =	sst s2  }
0xb: {  	[smem:$0x3FA4] =	sst s3  }
0xc: {  	[smem:$0x3FA5] =	sst s4  }
0xd: {  	[smem:$0x3FA6] =	sst s5  }
0xe: {  	[smem:$0x3FA7] =	sst s6  }
0xf: {  	[smem:$0x3FA8] =	sst s7  }
0x10: {  	[smem:$0x3FA9] =	sst s8  }
0x11: {  	[smem:$0x3FAA] =	sst s9;
	s0 =	simm.s32 @!p0 $0x0  }
0x12: {  	s1 =	sld [smem:$0x3F90];
	s0 =	simm.s32 @p0 $0x1  }
0x13: {  	[smem:$0x3FAB] =	sst s0;
	s0 =	simm.s32 @!p1 $0x0  }
0x14: {  	s2 =	sld [smem:$0x3F8F];
	s0 =	simm.s32 @p1 $0x1  }
0x15: {  	[smem:$0x3FAC] =	sst s0;
	s0 =	simm.s32 @!p2 $0x0  }
0x16: {  	s3 =	sld [smem:$0x3FDB];
	s0 =	simm.s32 @p2 $0x1  }
0x17: {  	s4 =	simm.s32 $0x1BF5;
	[smem:$0x3FAE] =	sst s0  }
0x18: {  	s0 =	sld [smem:$0x3F91];
	_ =	swait.ge [sflag:s4], $0x0  }
0x19: {  	s7 =	sld [smem:$0x3F92]  }
0x1a: {  	s8 =	sadd.s32 $0xFFFFE003, lr  }
0x1b: {  	s9 =	sadd.s32 $0xFFFFFEF7, lr;
	s5 =	simm.s32 $0xFFFFFFFF;
	p2 =	slt.u32 s8, $0xFFFFF086  }
0x1c: {  	p1 =	slt.u32 s9, $0xF7A;
	s5 =	simm.s32 @!p2 $0x0  }
0x1d: {  	s5 =	simm.s32 @p1 $0x1;
	p0 =	seq.s32 s7, s2  }
0x1e: {  	s7 =	smul.u32 @!p0 $0xF7A, s2;
	p2 =	seq.s32 @!p0 s5, $0x0  }
0x1f: {  	s9 =	smul.u32 $0xF7A, s1;
	s8 =	simm.s32 @!p0 $0x1BF5;
	p2 =	por !p2, p0  }
0x20: {  	[sflag:s8] =	ssyncset.s32 @!p0 $0xFFFFF086;
	s6 =	sadd.s32 @!p0 s3, s7;
	s7 =	simm.s32 @!p0 $0x108  }
0x21: {  	s3 =	sadd.s32 s3, s9;
	s6 =	sadd.s32 @!p0 $0x88, s6;
	s7 =	simm.s32 @p2 $0x1082  }
0x22: {  	[simem:s7], [sflag:s8] =	dma.local @!p0 [hbm:s6], $0xF7A  }
0x23: {  	s9 =	sor.u32 $0xD0000000, s2;
	s6 =	simm.s32 $0x108;
	_ =	swait.ge @!p0 [sflag:s8], $0x0  }
0x24: {  	s3 =	sadd.s32 $0x88, s3;
	s6 =	simm.s32 @!p1 $0x1082;
	[sflag:s4] =	ssyncset.s32 $0xFFFFF086  }
0x25: {  	[simem:s6], [sflag:s4] =	dma.local [hbm:s3], $0xF7A  }
0x26: {  	[smem:$0x3F92] =	sst s1;
	(tag) =	ssettag s2;
	_ =	strace s9  }
0x27: {  	s1 =	sld [smem:$0x3FA2]  }
0x28: {  	s2 =	sld [smem:$0x3FA3]  }
0x29: {  	s4 =	sld [smem:$0x3FA5]  }
0x2a: {  	p0 =	seq.s32 s5, $0x0;
	s5 =	sld [smem:$0x3FA6]  }
0x2b: {  	s6 =	sld [smem:$0x3FA7]  }
0x2c: {  	s7 =	sld [smem:$0x3FA8]  }
0x2d: {  	s3 =	simm.s32 $0x108;
	s8 =	sld [smem:$0x3FA9]  }
0x2e: {  	s3 =	simm.s32 @!p0 $0x1082;
	s9 =	sld [smem:$0x3FAA]  }
0x2f: {  	lr =	sadd.s32 s0, s3;
	s0 =	sld [smem:$0x3FA1]  }
0x30: {  	s3 =	sld [smem:$0x3FA4]  }
0x31: {  	[smem:$0x3FAD] =	sst s10  }
0x32: {  	s10 =	sld [smem:$0x3FAB];
	_ =	sdelay $0x3  }
0x33: {  	p0 =	seq.s32 s10, $0x1;
	s10 =	sld [smem:$0x3FAD];
	_ =	sdelay $0x3  }
0x34: {  	[smem:$0x3FAD] =	sst s10  }
0x35: {  	s10 =	sld [smem:$0x3FAC];
	_ =	sdelay $0x3  }
0x36: {  	p1 =	seq.s32 s10, $0x1;
	s10 =	sld [smem:$0x3FAD];
	_ =	sdelay $0x3  }
0x37: {  	[smem:$0x3FAD] =	sst s10  }
0x38: {  	s10 =	sld [smem:$0x3FAE]  }
0x39: {  	_ = 	snop;
	(pc) =	sbr.ind lr, $3  }
0x3a: {  	_ = 	snop  }
0x3b: {  	_ = 	snop  }
0x3c: {  	p2 =	seq.s32 s10, $0x1;
	s10 =	sld [smem:$0x3FAD]  }
0x3d: {  	_ =	shalt  }
0x3e: {  	_ =	shalt  }
0x3f: {  	_ =	shalt  }
0x40: {  	_ =	shalt  }
0x41: {  	_ =	shalt  }
0x42: {  	_ =	shalt  }
0x43: {  	_ =	shalt  }
0x44: {  	_ =	shalt  }
0x45: {  	_ =	shalt  }
0x46: {  	_ =	shalt  }
0x47: {  	_ =	shalt  }
0x48: {  	_ =	shalt  }
0x49: {  	_ =	shalt  }
0x4a: {  	_ =	shalt  }
0x4b: {  	_ =	shalt  }
0x4c: {  	_ =	shalt  }
0x4d: {  	_ =	shalt  }
0x4e: {  	_ =	shalt  }
0x4f: {  	_ =	shalt  }
0x50: {  	_ =	shalt  }
0x51: {  	_ =	shalt  }
0x52: {  	_ =	shalt  }
0x53: {  	_ =	shalt  }
0x54: {  	_ =	shalt  }
0x55: {  	_ =	shalt  }
0x56: {  	_ =	shalt  }
0x57: {  	_ =	shalt  }
0x58: {  	_ =	shalt  }
0x59: {  	_ =	shalt  }
0x5a: {  	_ =	shalt  }
0x5b: {  	_ =	shalt  }
0x5c: {  	_ =	shalt  }
0x5d: {  	_ =	shalt  }
0x5e: {  	_ =	shalt  }
0x5f: {  	_ =	shalt  }
0x60: {  	_ =	shalt  }
0x61: {  	_ =	shalt  }
0x62: {  	_ =	shalt  }
0x63: {  	_ =	shalt  }
0x64: {  	_ =	shalt  }
0x65: {  	_ =	shalt  }
0x66: {  	_ =	shalt  }
0x67: {  	_ =	shalt  }
0x68: {  	_ =	shalt  }
0x69: {  	_ =	shalt  }
0x6a: {  	_ =	shalt  }
0x6b: {  	_ =	shalt  }
0x6c: {  	_ =	shalt  }
0x6d: {  	_ =	shalt  }
0x6e: {  	_ =	shalt  }
0x6f: {  	_ =	shalt  }
0x70: {  	_ =	shalt  }
0x71: {  	_ =	shalt  }
0x72: {  	_ =	shalt  }
0x73: {  	_ =	shalt  }
0x74: {  	_ =	shalt  }
0x75: {  	_ =	shalt  }
0x76: {  	_ =	shalt  }
0x77: {  	_ =	shalt  }
0x78: {  	_ =	shalt  }
0x79: {  	_ =	shalt  }
0x7a: {  	_ =	shalt  }
0x7b: {  	_ =	shalt  }
0x7c: {  	_ =	shalt  }
0x7d: {  	_ =	shalt  }
0x7e: {  	_ =	shalt  }
0x7f: {  	_ =	shalt  }
0x80: {  	_ =	shalt  }
0x81: {  	_ =	shalt  }
0x82: {  	_ =	shalt  }
0x83: {  	_ =	shalt  }
0x84: {  	_ =	shalt  }
0x85: {  	_ =	shalt  }
0x86: {  	_ =	shalt  }
0x87: {  	_ =	shalt  }
.Lfunc_end0:
.L_simem_size_0:
called_computation_lowered:
.L_overlay_start_0:
0x88: {  	s2 =	sld [smem:$0x3FD9]  }
0x89: {  	s3 =	sld [smem:$0x3FFE];
	_ =	sdelay $0x1  }
0x8a: {  	s1 =	srdreg.scid  }
0x8b: {  	s0 =	sand.u32 $0x1, s1  }
0x8c: {  	s17 =	sshll.u32 s0, $0xA;
	s2 =	sadd.s32 s3, s2  }
0x8d: {  	s2 =	sadd.s32 s2, s17  }
0x8e: {  	[smem:$0x3FB9] =	sst s2  }
0x8f: {  	_ = 	snop  }
0x90: {  	s2 =	sld [smem:$0x3FD0];
	(tm) =	ssettm $0x1  }
0x91: {  	s18 =	sld [smem:$0x3FFB];
	_ =	sdelay $0x3  }
0x92: {  	_ =	strace s18  }
0x93: {  	s3 =	sld [smem:$0x3FFC];
	_ =	sdelay $0x3  }
0x94: {  	_ =	strace s3  }
0x95: {  	s3 =	sld [smem:$0x3FFD];
	_ =	sdelay $0x3  }
0x96: {  	_ =	strace s3  }
0x97: {  	_ =	strace $0x8FFFFFFF  }
0x98: {  	s19 =	sld [smem:$0x3FDB];
	_ =	sdelay $0x1  }
0x99: {  	s4 =	simm.s32 $_scs_section_size  }
0x9a: {  	s5 =	simm.s32 $_size__tile_overlayer_lowered;
	s6 =	simm.s32 $_tile_overlayer_lowered  }
0x9b: {  	s22 =	simm.s32 $0x1BFF;
	s21 =	sshll.u32 s6, $0x1;
	s3 =	sadd.s32 s4, s19  }
0x9c: {  	s7 =	simm.s32 $0x0;
	s20 =	sshll.u32 s5, $0x1;
	s5 =	sadd.s32 s21, s3  }
0x9d: {  	[timem:s7], [sflag:s22] =	dma.local [hbm:s5], s20  }
0x9e: {  	_ =	swait.ge [sflag:s22], s20  }
0x9f: {  	s4 =	ssub.s32 $0x0, s20;
	[sflag:s22] =	ssyncset.done $0x0  }
0xa0: {  	[sflag:s22] =	ssyncadd.s32 s4;
	_ =	sdelay $0x1  }
0xa1: {  	s23 =	simm.s32 $0x1B8B  }
0xa2: {  	_ =	swait.ge [sflag:s23], $0x1  }
0xa3: {  	[sflag:s23] =	ssyncset.done $0x0  }
0xa4: {  	s25 =	simm.s32 $0x1B8E;
	s24 =	sld [smem:$0x3FFE];
	[sflag:s23] =	ssyncadd.s32 $0xFFFFFFFF  }
0xa5: {  	s26 =	simm.s32 $execute0_lowered;
	[smem:$0x3FD2] =	sst s25  }
0xa6: {  	s5 =	sshll.u32 s26, $0x1;
	_ =	strace $0x80000046;
	[dreg:$0x1] =	wrdreg $0xFFFFFFFF  }
0xa7: {  	s28 =	simm.s32 $_size_execute0_lowered;
	s3 =	sadd.s32 s3, s5;
	[dreg:$0x0] =	wrdreg $0x0  }
0xa8: {  	s5 =	sshll.u32 s28, $0x1;
	[dreg:$0x2] =	wrdreg s3  }
0xa9: {  	[dreg:$0x3] =	wrdreg s5  }
0xaa: {  	[dreg:$0x4] =	wrdreg $0xC0  }
0xab: {  	_ =	task [dreg:s7], $0x5FFFF  }
0xac: {  	[dreg:$0x1] =	wrdreg $0xFFFFFFFF  }
0xad: {  	[dreg:$0x0] =	wrdreg $0x60  }
0xae: {  	[dreg:$0x2] =	wrdreg s24  }
0xaf: {  	[dreg:$0x3] =	wrdreg s2  }
0xb0: {  	[dreg:$0x4] =	wrdreg $0x9  }
0xb1: {  	_ =	task.clear_ibuf [dreg:s7], $0x5FFFF;
	_ =	strace $0x90000046  }
0xb2: {  	s29 =	simm.s32 $0x9;
	_ =	strace $0x80000048  }
0xb3: {  	_ =	swait.ge [sflag:s29], $0x1  }
0xb4: {  	[sflag:s29] =	ssyncadd.s32 $0xFFFFFFFF  }
0xb5: {  	_ =	strace $0x90000048  }
0xb6: {  	_ =	sfence  }
0xb7: {  	s30 =	sld [smem:$0x0];
	_ =	sdelay $0x2  }
0xb8: {  	s31 =	sshll.u32 s1, $0xD;
	s1 =	sshrl.u32 s1, $0x2  }
0xb9: {  	s3 =	sand.u32 $0x4000, s31;
	s1 =	sadd.s32 s1, s30  }
0xba: {  	s0 =	sor.u32 s3, s0;
	s1 =	sshll.u32 s1, $0x11  }
0xbb: {  	s0 =	sor.u32 s1, s0  }
0xbc: {  	s0 =	sadd.s32 $0x8F2B, s0  }
0xbd: {  	[sflag:s0] =	ssyncadd.remote.s32 $0x1  }
0xbe: {  	_ =	sfence.sel $0xFFFF  }
0xbf: {  	[dreg:$0x0] =	wrdreg $0xFFFFFFFF;
	(pc) =	sbr.abs _section_cstart, $3  }
0xc0: {  	[dreg:$0x1] =	wrdreg $0xFFFFFFFF  }
0xc1: {  	_ =	task.clear_ibuf [dreg:s7], $0x2FFFF;
	_ =	strace $0x9FFFFFFF  }
0xc2: {  	(tm) =	ssettm $0x7FFFFFFF  }
0xc3: {  	_ =	shalt  }
tec
execute0_lowered:
.L_overlay_start_1:
0x0: {  	(tag) =	ssettag $0x1  }
0x1: {  	s0 =	rddreg [dreg:$0x0]  }
0x2: {  	s1 =	rddreg [dreg:$0x1]  }
0x3: {  	s2 =	simm.s32 $0x0;
	s3 =	srdreg.scid;
	s15 =	stileid.u32  }
0x4: {  	s28 =	simm.s32 $0x10;
	s30 =	simm.s32 $0x18B00;
	s31 =	simm.s32 $0x19300  }
0x5: {  	[smem:$0x7FF] =	sst s2;
	s4 =	sadd.s32 $0x4800, s0;
	s5 =	sadd.s32 $0xE600, s0  }
0x6: {  	s6 =	sadd.s32 $0x18400, s0;
	s3 =	sand.u32 $0x1, s3;
	s13 =	smul.u32 $0x271000, s15  }
0x7: {  	s7 =	sadd.s32 $0x3F600, s0;
	s10 =	sadd.s32 $0x66800, s0;
	s17 =	smul.u32 $0x4E20, s15  }
0x8: {  	s8 =	sshll.u32 s15, $0x1;
	s16 =	sadd.s32 $0x548800, s0;
	s14 =	smul.u32 $0x138800, s3  }
0x9: {  	s9 =	ssub.s32 $0x2, s3;
	s8 =	sor.u32 s3, s8;
	s3 =	smul.u32 $0x2710, s3  }
0xa: {  	s0 =	sadd.s32 $0xA2A800, s0;
	s11 =	sshrl.u32 s9, $0x1;
	s8 =	smul.u32 $0x2710, s8  }
0xb: {  	_ =	strace $0x80000047;
	s9 =	ssub.s32 s9, s11;
	s23 =	sadd.s32 s14, s13  }
0xc: {  	s3 =	sadd.s32 s3, s17;
	s18 =	sshrl.u32 s8, $0x3;
	s25 =	smax.u32 s9, $0x1  }
0xd: {  	s8 =	sadd.s32 $0x2700, s8;
	s12 =	sadd.s32 s4, s18;
	[dreg:$0xd] =	wrdreg s25  }
0xe: {  	s19 =	sshrl.u32 s8, $0x3;
	s11 =	sadd.s32 s5, s18;
	[dreg:$0x6] =	wrdreg s12  }
0xf: {  	s17 =	simm.s32 $0x4;
	[dreg:$0x7] =	wrdreg s11;
	s20 =	sadd.s32 s4, s19  }
0x10: {  	s8 =	sshll.u32 s8, $0x4;
	s21 =	sadd.s32 s5, s19;
	[dreg:$0x8] =	wrdreg s20  }
0x11: {  	s25 =	simm.s32 $0x200;
	s22 =	sadd.s32 s10, s8;
	[dreg:$0x9] =	wrdreg s21  }
0x12: {  	s24 =	sadd.s32 s16, s8;
	s11 =	sshrl.u32 s23, $0x3;
	[dreg:$0xa] =	wrdreg s22  }
0x13: {  	s8 =	sadd.s32 s0, s8;
	s19 =	simm.s32 $0x80;
	[dreg:$0xb] =	wrdreg s24  }
0x14: {  	s23 =	simm.s32 $0x1;
	[dreg:$0xc] =	wrdreg s8;
	s0 =	sadd.s32 s11, s0  }
0x15: {  	s26 =	sadd.s32 s11, s16;
	s29 =	sadd.s32 s11, s10;
	[dreg:$0x5] =	wrdreg s0  }
0x16: {  	s16 =	sadd.s32 $0x80, s3;
	s24 =	simm.s32 $0x2;
	[dreg:$0x4] =	wrdreg s26  }
0x17: {  	s3 =	simm.s32 $0x0;
	[dreg:$0x3] =	wrdreg s29;
	s0 =	simm.s32 $0x3  }
.LBB2_1:
0x18: {  	s8 =	rddreg [dreg:$0x6]  }
0x19: {  	[tilespmem:s2], [sflag:$0x4] =	stream.linear.gather [hbm4b:s8+s2], $0x80, $0x38;
	[tilespmem:$0x19B00] =	vst v63  }
0x1a: {  	_ =	swait.ge [sflag:s17], $0x80  }
0x1b: {  	[sflag:s17] =	ssyncset.done $0x0  }
0x1c: {  	s9 =	simm.s32 $0x100;
	s11 =	rddreg [dreg:$0x7];
	[sflag:s17] =	ssyncadd.s32 $0xFFFFFF80  }
0x1d: {  	[tilespmem:s9], [sflag:$0x4] =	stream.linear.gather [hbm4b:s11+s2], $0x80, $0x38;
	[tilespmem:$0x19B00] =	vst v63  }
0x1e: {  	_ =	swait.ge [sflag:s17], $0x80  }
0x1f: {  	[sflag:s17] =	ssyncset.done $0x0  }
0x20: {  	s12 =	simm.s32 $0x300;
	p0 =	por $0x1, $0x1;
	[sflag:s17] =	ssyncadd.s32 $0xFFFFFF80  }
0x21: {  	[tilespmem:s12], [sflag:$0x1] =	stream.indirect.gather [hbm4b:s1+s19], $0x80, s9, s19, $0xb8;
	[tilespmem:$0x19B00] =	vst v63  }
0x22: {  	s13 =	simm.s32 $0x8300;
	p0 =	por p0, p0  }
0x23: {  	[tilespmem:s13], [sflag:$0x1] =	stream.indirect.gather [hbm4b:s6+s19], $0x80, s2, s19, $0xb8;
	[tilespmem:$0x19B00] =	vst v63  }
0x24: {  	s14 =	simm.s32 $0x10300;
	s8 =	simm.s32 @!p0 $0x2  }
0x25: {  	[tilespmem:s14], [sflag:$0x1] =	stream.indirect.gather [hbm4b:s7+s19], $0x80, s2, s19, $0xb8;
	[tilespmem:$0x19B00] =	vst v63  }
0x26: {  	_ =	swait.ge @!p0 [sflag:s8], $0x4000  }
0x27: {  	[sflag:s8] =	ssyncset.done @!p0 $0x0  }
0x28: {  	[sflag:s8] =	ssyncadd.s32 @!p0 $0xFFFFC000  }
0x29: {  	_ =	swait.ge @!p0 [sflag:s8], $0x4000  }
0x2a: {  	[sflag:s8] =	ssyncset.done @!p0 $0x0  }
0x2b: {  	[sflag:s8] =	ssyncadd.s32 @!p0 $0xFFFFC000  }
0x2c: {  	_ =	swait.ge @!p0 [sflag:s8], $0x4000  }
0x2d: {  	[sflag:s8] =	ssyncset.done @!p0 $0x0  }
0x2e: {  	[sflag:s8] =	ssyncadd.s32 @!p0 $0xFFFFC000  }
0x2f: {  	_ =	swait.ge [sflag:s23], $0x4000  }
0x30: {  	[sflag:s23] =	ssyncset.done $0x0  }
0x31: {  	[sflag:s23] =	ssyncadd.s32 $0xFFFFC000  }
0x32: {  	_ =	swait.ge [sflag:s23], $0x4000  }
0x33: {  	[sflag:s23] =	ssyncset.done $0x0  }
0x34: {  	p0 =	por $0x0, $0x0;
	s8 =	sand.u32 $0x1, s2;
	[sflag:s23] =	ssyncadd.s32 $0xFFFFC000  }
0x35: {  	s9 =	sshrl.u32 @!p0 s16, $0x3;
	s10 =	sxor.u32 @!p0 $0x1, s8;
	_ =	swait.ge [sflag:s23], $0x4000  }
0x36: {  	s20 =	simm.s32 @!p0 $0x0;
	s22 =	simm.s32 @!p0 $0x4;
	[sflag:s23] =	ssyncset.done $0x0  }
0x37: {  	s11 =	sadd.s32 @!p0 s4, s9;
	s21 =	sshll.u32 @!p0 s10, $0x7;
	[sflag:s23] =	ssyncadd.s32 $0xFFFFC000  }
0x38: {  	[tilespmem:s21], [sflag:$0x4] =	stream.linear.gather @!p0 [hbm4b:s11+s20], $0x80, $0x38;
	[tilespmem:$0x19B00] =	vst v63  }
0x39: {  	_ =	swait.ge @!p0 [sflag:s22], $0x80  }
0x3a: {  	[sflag:s22] =	ssyncset.done @!p0 $0x0  }
0x3b: {  	s9 =	sadd.s32 @!p0 s5, s9;
	s11 =	sor.u32 @!p0 $0x100, s21;
	[sflag:s22] =	ssyncadd.s32 @!p0 $0xFFFFFF80  }
0x3c: {  	[tilespmem:s11], [sflag:$0x4] =	stream.linear.gather @!p0 [hbm4b:s9+s20], $0x80, $0x38;
	[tilespmem:$0x19B00] =	vst v63  }
0x3d: {  	p6 =	por $0x0, $0x0;
	s18 =	sshll.u32 s8, $0xE;
	_ =	swait.ge @!p0 [sflag:s22], $0x80  }
0x3e: {  	s9 =	sshll.u32 @!p0 s10, $0xE;
	s20 =	simm.s32 @!p0 $0x80;
	[sflag:s22] =	ssyncset.done @!p0 $0x0  }
0x3f: {  	s10 =	sor.u32 @!p0 $0x300, s9;
	s15 =	rddreg [dreg:$0x3];
	[sflag:s22] =	ssyncadd.s32 @!p0 $0xFFFFFF80  }
0x40: {  	[tilespmem:s10], [sflag:$0x1] =	stream.indirect.gather @!p0 [hbm4b:s1+s20], $0x80, s11, s20, $0xb8;
	[tilespmem:$0x19B00] =	vst v63  }
0x41: {  	s29 =	sor.u32 $0x8300, s18;
	s26 =	rddreg [dreg:$0x5];
	s10 =	sor.u32 @!p0 $0x8300, s9  }
0x42: {  	[tilespmem:s10], [sflag:$0x1] =	stream.indirect.gather @!p0 [hbm4b:s6+s20], $0x80, s21, s20, $0xb8;
	[tilespmem:$0x19B00] =	vst v63  }
0x43: {  	s22 =	sor.u32 $0x300, s18;
	s9 =	sor.u32 @!p0 $0x10300, s9;
	s11 =	sadd.s32 $0x0, s26  }
0x44: {  	[tilespmem:s9], [sflag:$0x1] =	stream.indirect.gather @!p0 [hbm4b:s7+s20], $0x80, s21, s20, $0xb8;
	[tilespmem:$0x19B00] =	vst v63  }
0x45: {  	s10 =	sadd.s32 $0x0, s15;
	s20 =	simm.s32 $0x800;
	s21 =	rddreg [dreg:$0x4]  }
0x46: {  	[hbm4b:s10+s2] =	stream.linear.scatter [tilespmem:s22], [sflag:$0x2], $0x4000, $0x38;
	[tilespmem:$0x19B00] =	vst v63  }
0x47: {  	p0 =	por p6, p6;
	s8 =	sadd.s32 $0x0, s21;
	s21 =	simm.s32 $0x1  }
0x48: {  	[hbm4b:s8+s2] =	stream.linear.scatter [tilespmem:s29], [sflag:$0x2], $0x4000, $0x38;
	[tilespmem:$0x19B00] =	vst v63  }
0x49: {  	s10 =	sor.u32 $0x10300, s18;
	s22 =	sadd.s32 $0x80, s16;
	s8 =	simm.s32 $0x1000  }
.LBB2_2:
0x4a: {  	s12 =	simm.s32 @!p0 $0x2  }
0x4b: {  	[hbm4b:s11+s2] =	stream.linear.scatter [tilespmem:s10], [sflag:$0x2], $0x4000, $0x38;
	[tilespmem:$0x19B00] =	vst v63  }
0x4c: {  	_ =	swait.ge @!p0 [sflag:s12], $0x4000  }
0x4d: {  	[sflag:s12] =	ssyncset.done @!p0 $0x0  }
0x4e: {  	[sflag:s12] =	ssyncadd.s32 @!p0 $0xFFFFC000  }
0x4f: {  	_ =	swait.ge @!p0 [sflag:s12], $0x4000  }
0x50: {  	[sflag:s12] =	ssyncset.done @!p0 $0x0  }
0x51: {  	[sflag:s12] =	ssyncadd.s32 @!p0 $0xFFFFC000  }
0x52: {  	_ =	swait.ge @!p0 [sflag:s12], $0x4000  }
0x53: {  	[sflag:s12] =	ssyncset.done @!p0 $0x0  }
0x54: {  	[sflag:s12] =	ssyncadd.s32 @!p0 $0xFFFFC000  }
0x55: {  	_ =	swait.ge [sflag:s23], $0x4000  }
0x56: {  	[sflag:s23] =	ssyncset.done $0x0  }
0x57: {  	[sflag:s23] =	ssyncadd.s32 $0xFFFFC000  }
0x58: {  	p2 =	seq.s32 s8, $0x0;
	_ =	swait.ge [sflag:s23], $0x4000  }
0x59: {  	s9 =	smov.u32 s20;
	s10 =	sand.u32 $0x1, s21;
	[sflag:s23] =	ssyncset.done $0x0  }
0x5a: {  	p0 =	por p2, p2;
	p2 =	seq.s32 s9, $0x26800;
	[sflag:s23] =	ssyncadd.s32 $0xFFFFC000  }
0x5b: {  	s11 =	sxor.u32 @!p2 $0x1, s10;
	s12 =	sshrl.u32 @!p2 s22, $0x3;
	_ =	swait.ge [sflag:s23], $0x4000  }
0x5c: {  	s14 =	simm.s32 @!p2 $0x0;
	s18 =	simm.s32 @!p2 $0x4;
	[sflag:s23] =	ssyncset.done $0x0  }
0x5d: {  	s13 =	sadd.s32 @!p2 s4, s12;
	s15 =	sshll.u32 @!p2 s11, $0x7;
	[sflag:s23] =	ssyncadd.s32 $0xFFFFC000  }
0x5e: {  	[tilespmem:s15], [sflag:$0x4] =	stream.linear.gather @!p2 [hbm4b:s13+s14], $0x80, $0x38;
	[tilespmem:$0x19B00] =	vst v63  }
0x5f: {  	_ =	swait.ge @!p2 [sflag:s18], $0x80  }
0x60: {  	s20 =	smov.u32 s8;
	[sflag:s18] =	ssyncset.done @!p2 $0x0  }
0x61: {  	s12 =	sadd.s32 @!p2 s5, s12;
	s29 =	sor.u32 @!p2 $0x100, s15;
	[sflag:s18] =	ssyncadd.s32 @!p2 $0xFFFFFF80  }
0x62: {  	[tilespmem:s29], [sflag:$0x4] =	stream.linear.gather @!p2 [hbm4b:s12+s14], $0x80, $0x38;
	[tilespmem:$0x19B00] =	vst v63  }
0x63: {  	s8 =	sadd.s32 $0x800, s8;
	s11 =	sshll.u32 @!p2 s11, $0xE;
	_ =	swait.ge @!p2 [sflag:s18], $0x80  }
0x64: {  	s26 =	sor.u32 @!p2 $0x10300, s11;
	s13 =	sor.u32 @!p2 $0x8300, s11;
	[sflag:s18] =	ssyncset.done @!p2 $0x0  }
0x65: {  	s11 =	sor.u32 @!p2 $0x300, s11;
	s12 =	simm.s32 @!p2 $0x80;
	[sflag:s18] =	ssyncadd.s32 @!p2 $0xFFFFFF80  }
0x66: {  	[tilespmem:s11], [sflag:$0x1] =	stream.indirect.gather @!p2 [hbm4b:s1+s12], $0x80, s29, s12, $0xb8;
	[tilespmem:$0x19B00] =	vst v63  }
0x67: {  	s21 =	sadd.s32 $0x1, s21;
	p1 =	sne.s32 s8, $0x27000  }
0x68: {  	[tilespmem:s13], [sflag:$0x1] =	stream.indirect.gather @!p2 [hbm4b:s6+s12], $0x80, s15, s12, $0xb8;
	[tilespmem:$0x19B00] =	vst v63  }
0x69: {  	s10 =	sshll.u32 s10, $0xE;
	s22 =	sadd.s32 $0x80, s22;
	s14 =	rddreg [dreg:$0x3]  }
0x6a: {  	[tilespmem:s26], [sflag:$0x1] =	stream.indirect.gather @!p2 [hbm4b:s7+s12], $0x80, s15, s12, $0xb8;
	[tilespmem:$0x19B00] =	vst v63  }
.Ltmp0:
0x6b: {  	s18 =	rddreg [dreg:$0x4];
	s14 =	sadd.s32 s9, s14;
	(pc) =	sbr.rel @p1 .LBB2_2-.Ltmp0, $4  }
0x6c: {  	s11 =	rddreg [dreg:$0x5];
	s29 =	sadd.s32 s9, s18;
	s13 =	sor.u32 $0x300, s10  }
0x6d: {  	[hbm4b:s14+s2] =	stream.linear.scatter [tilespmem:s13], [sflag:$0x2], $0x4000, $0x38;
	[tilespmem:$0x19B00] =	vst v63  }
0x6e: {  	s11 =	sadd.s32 s9, s11;
	s26 =	sor.u32 $0x8300, s10;
	s10 =	sor.u32 $0x10300, s10  }
0x6f: {  	[hbm4b:s29+s2] =	stream.linear.scatter [tilespmem:s26], [sflag:$0x2], $0x4000, $0x38;
	[tilespmem:$0x19B00] =	vst v63  }
0x70: {  	s8 =	simm.s32 @!p0 $0x2  }
0x71: {  	[hbm4b:s11+s2] =	stream.linear.scatter [tilespmem:s10], [sflag:$0x2], $0x4000, $0x38;
	[tilespmem:$0x19B00] =	vst v63  }
0x72: {  	_ =	swait.ge @!p0 [sflag:s8], $0x4000  }
0x73: {  	[sflag:s8] =	ssyncset.done @!p0 $0x0  }
0x74: {  	[sflag:s8] =	ssyncadd.s32 @!p0 $0xFFFFC000  }
0x75: {  	_ =	swait.ge @!p0 [sflag:s8], $0x4000  }
0x76: {  	[sflag:s8] =	ssyncset.done @!p0 $0x0  }
0x77: {  	[sflag:s8] =	ssyncadd.s32 @!p0 $0xFFFFC000  }
0x78: {  	_ =	swait.ge @!p0 [sflag:s8], $0x4000  }
0x79: {  	[sflag:s8] =	ssyncset.done @!p0 $0x0  }
0x7a: {  	[sflag:s8] =	ssyncadd.s32 @!p0 $0xFFFFC000  }
0x7b: {  	_ =	swait.ge [sflag:s23], $0x4000  }
0x7c: {  	[sflag:s23] =	ssyncset.done $0x0  }
0x7d: {  	[sflag:s23] =	ssyncadd.s32 $0xFFFFC000  }
0x7e: {  	_ =	swait.ge [sflag:s23], $0x4000  }
0x7f: {  	[sflag:s23] =	ssyncset.done $0x0  }
0x80: {  	p0 =	seq.s32 s20, $0x26800;
	s8 =	sand.u32 $0x1, s21;
	[sflag:s23] =	ssyncadd.s32 $0xFFFFC000  }
0x81: {  	s9 =	sshrl.u32 @!p0 s22, $0x3;
	s10 =	sxor.u32 @!p0 $0x1, s8;
	_ =	swait.ge [sflag:s23], $0x4000  }
0x82: {  	s12 =	simm.s32 @!p0 $0x0;
	s14 =	simm.s32 @!p0 $0x4;
	[sflag:s23] =	ssyncset.done $0x0  }
0x83: {  	s11 =	sadd.s32 @!p0 s4, s9;
	s13 =	sshll.u32 @!p0 s10, $0x7;
	[sflag:s23] =	ssyncadd.s32 $0xFFFFC000  }
0x84: {  	[tilespmem:s13], [sflag:$0x4] =	stream.linear.gather @!p0 [hbm4b:s11+s12], $0x80, $0x38;
	[tilespmem:$0x19B00] =	vst v63  }
0x85: {  	_ =	swait.ge @!p0 [sflag:s14], $0x80  }
0x86: {  	[sflag:s14] =	ssyncset.done @!p0 $0x0  }
0x87: {  	s9 =	sadd.s32 @!p0 s5, s9;
	s11 =	sor.u32 @!p0 $0x100, s13;
	[sflag:s14] =	ssyncadd.s32 @!p0 $0xFFFFFF80  }
0x88: {  	[tilespmem:s11], [sflag:$0x4] =	stream.linear.gather @!p0 [hbm4b:s9+s12], $0x80, $0x38;
	[tilespmem:$0x19B00] =	vst v63  }
0x89: {  	_ =	swait.ge @!p0 [sflag:s14], $0x80  }
0x8a: {  	s9 =	sshll.u32 @!p0 s10, $0xE;
	[sflag:s14] =	ssyncset.done @!p0 $0x0  }
0x8b: {  	s12 =	simm.s32 @!p0 $0x80;
	s10 =	sor.u32 @!p0 $0x300, s9;
	[sflag:s14] =	ssyncadd.s32 @!p0 $0xFFFFFF80  }
0x8c: {  	[tilespmem:s10], [sflag:$0x1] =	stream.indirect.gather @!p0 [hbm4b:s1+s12], $0x80, s11, s12, $0xb8;
	[tilespmem:$0x19B00] =	vst v63  }
0x8d: {  	s10 =	sor.u32 @!p0 $0x8300, s9  }
0x8e: {  	[tilespmem:s10], [sflag:$0x1] =	stream.indirect.gather @!p0 [hbm4b:s6+s12], $0x80, s13, s12, $0xb8;
	[tilespmem:$0x19B00] =	vst v63  }
0x8f: {  	s8 =	sshll.u32 s8, $0xE;
	s21 =	rddreg [dreg:$0x3];
	s9 =	sor.u32 @!p0 $0x10300, s9  }
0x90: {  	[tilespmem:s9], [sflag:$0x1] =	stream.indirect.gather @!p0 [hbm4b:s7+s12], $0x80, s13, s12, $0xb8;
	[tilespmem:$0x19B00] =	vst v63  }
0x91: {  	s26 =	sor.u32 $0x300, s8;
	s22 =	rddreg [dreg:$0x4];
	s10 =	sadd.s32 s20, s21  }
0x92: {  	[hbm4b:s10+s2] =	stream.linear.scatter [tilespmem:s26], [sflag:$0x2], $0x4000, $0x38;
	[tilespmem:$0x19B00] =	vst v63  }
0x93: {  	s29 =	rddreg [dreg:$0x5];
	s12 =	sor.u32 $0x8300, s8;
	s9 =	sadd.s32 s20, s22  }
0x94: {  	[hbm4b:s9+s2] =	stream.linear.scatter [tilespmem:s12], [sflag:$0x2], $0x4000, $0x38;
	[tilespmem:$0x19B00] =	vst v63  }
0x95: {  	s13 =	sadd.s32 s20, s29;
	s8 =	sor.u32 $0x10300, s8  }
0x96: {  	[hbm4b:s13+s2] =	stream.linear.scatter [tilespmem:s8], [sflag:$0x2], $0x4000, $0x38;
	[tilespmem:$0x19B00] =	vst v63  }
0x97: {  	_ =	swait.ge [sflag:s24], $0x4000  }
0x98: {  	[sflag:s24] =	ssyncset.done $0x0  }
0x99: {  	[sflag:s24] =	ssyncadd.s32 $0xFFFFC000  }
0x9a: {  	_ =	swait.ge [sflag:s24], $0x4000  }
0x9b: {  	[sflag:s24] =	ssyncset.done $0x0  }
0x9c: {  	[sflag:s24] =	ssyncadd.s32 $0xFFFFC000  }
0x9d: {  	_ =	swait.ge [sflag:s24], $0x4000  }
0x9e: {  	[sflag:s24] =	ssyncset.done $0x0  }
0x9f: {  	s14 =	rddreg [dreg:$0x8];
	[sflag:s24] =	ssyncadd.s32 $0xFFFFC000  }
0xa0: {  	[tilespmem:s25], [sflag:$0x4] =	stream.linear.gather [hbm4b:s14+s2], $0x10, $0x38;
	[tilespmem:$0x19B00] =	vst v63  }
0xa1: {  	_ =	swait.ge [sflag:s17], $0x10  }
0xa2: {  	[sflag:s17] =	ssyncset.done $0x0  }
0xa3: {  	s18 =	simm.s32 $0x280;
	s15 =	rddreg [dreg:$0x9];
	[sflag:s17] =	ssyncadd.s32 $0xFFFFFFF0  }
0xa4: {  	[tilespmem:s18], [sflag:$0x4] =	stream.linear.gather [hbm4b:s15+s2], $0x10, $0x38;
	[tilespmem:$0x19B00] =	vst v63  }
0xa5: {  	_ =	swait.ge [sflag:s17], $0x10  }
0xa6: {  	[sflag:s17] =	ssyncset.done $0x0  }
0xa7: {  	s20 =	simm.s32 $0x18300;
	[sflag:s17] =	ssyncadd.s32 $0xFFFFFFF0  }
0xa8: {  	[tilespmem:s20], [sflag:$0x1] =	stream.indirect.gather [hbm4b:s1+s28], $0x80, s18, s28, $0xb8;
	[tilespmem:$0x19B00] =	vst v63  }
0xa9: {  	_ = 	snop  }
0xaa: {  	[tilespmem:s30], [sflag:$0x2] =	stream.indirect.gather [hbm4b:s6+s28], $0x80, s25, s28, $0xb8;
	[tilespmem:$0x19B00] =	vst v63  }
0xab: {  	_ = 	snop  }
0xac: {  	[tilespmem:s31], [sflag:$0x3] =	stream.indirect.gather [hbm4b:s7+s28], $0x80, s25, s28, $0xb8;
	[tilespmem:$0x19B00] =	vst v63  }
0xad: {  	_ =	swait.ge [sflag:s23], $0x800  }
0xae: {  	[sflag:s23] =	ssyncset.done $0x0  }
0xaf: {  	[sflag:s23] =	ssyncadd.s32 $0xFFFFF800  }
0xb0: {  	_ =	swait.ge [sflag:s24], $0x800  }
0xb1: {  	[sflag:s24] =	ssyncset.done $0x0  }
0xb2: {  	[sflag:s24] =	ssyncadd.s32 $0xFFFFF800  }
0xb3: {  	_ =	swait.ge [sflag:s0], $0x800  }
0xb4: {  	[sflag:s0] =	ssyncset.done $0x0  }
0xb5: {  	s21 =	rddreg [dreg:$0xa];
	[sflag:s0] =	ssyncadd.s32 $0xFFFFF800  }
0xb6: {  	[hbm4b:s21+s2] =	stream.linear.scatter [tilespmem:s20], [sflag:$0x4], $0x800, $0x38;
	[tilespmem:$0x19B00] =	vst v63  }
0xb7: {  	_ =	swait.ge [sflag:s17], $0x800  }
0xb8: {  	[sflag:s17] =	ssyncset.done $0x0  }
0xb9: {  	s22 =	rddreg [dreg:$0xb];
	[sflag:s17] =	ssyncadd.s32 $0xFFFFF800  }
0xba: {  	[hbm4b:s22+s2] =	stream.linear.scatter [tilespmem:s30], [sflag:$0x4], $0x800, $0x38;
	[tilespmem:$0x19B00] =	vst v63  }
0xbb: {  	_ =	swait.ge [sflag:s17], $0x800  }
0xbc: {  	[sflag:s17] =	ssyncset.done $0x0  }
0xbd: {  	s26 =	rddreg [dreg:$0xc];
	[sflag:s17] =	ssyncadd.s32 $0xFFFFF800  }
0xbe: {  	[hbm4b:s26+s2] =	stream.linear.scatter [tilespmem:s31], [sflag:$0x4], $0x800, $0x38;
	[tilespmem:$0x19B00] =	vst v63  }
0xbf: {  	_ =	swait.ge [sflag:s17], $0x800  }
0xc0: {  	s3 =	sadd.s32 $0x1, s3;
	s29 =	rddreg [dreg:$0xd]  }
0xc1: {  	p0 =	sne.s32 s3, s29  }
.Ltmp1:
0xc2: {  	_ = 	snop;
	(pc) =	sbr.rel @p0 .LBB2_1-.Ltmp1, $3  }
0xc3: {  	_ =	sdelay $0x1  }
0xc4: {  	[sflag:s17] =	ssyncset.done $0x0  }
0xc5: {  	[sflag:s17] =	ssyncadd.s32 $0xFFFFF800  }
0xc6: {  	_ =	sfence.sel $0x180000  }
0xc7: {  	[bflag:$0x0] =	sbarrier.arrive $0xFFFF  }
0xc8: {  	_ =	strace $0x90000047  }
0xc9: {  	s0 =	stileid.u32;
	[bflag:$0x2] =	sbarrier.arrive $0xFFFF  }
0xca: {  	p0 =	sne.s32 s0, $0x0;
	s0 =	rddreg [dreg:$0x2]  }
0xcb: {  	s0 =	sadd.s32 @!p0 $0x100000, s0  }
0xcc: {  	[sflag:s0] =	ssyncadd.tile.s32 @!p0 $0x1;
	_ =	shalt  }
.Lfunc_end2:
_tile_overlayer_lowered:
.L_overlay_start_2:
0xcd: {  	(tag) =	ssettag $0x2  }
0xce: {  	s0 =	rddreg [dreg:$0x0];
	s2 =	stileid.u32  }
0xcf: {  	s1 =	rddreg [dreg:$0x1];
	p0 =	sne.s32 s2, $0x0  }
0xd0: {  	s3 =	rddreg [dreg:$0x2];
	[bflag:$0x3] =	sbarrier.arrive $0xFFFF;
	s2 =	simm.s32 @!p0 $0x1C04  }
0xd1: {  	[timem:s3], [sflag:s2] =	dma.local @!p0 [hbm:s0], s1  }
0xd2: {  	s0 =	simm.s32 @!p0 $0x4  }
0xd3: {  	_ =	swait.ge @!p0 [sflag:s0], s1  }
0xd4: {  	s1 =	ssub.s32 @!p0 $0x0, s1;
	[sflag:s0] =	ssyncset.done @!p0 $0x0  }
0xd5: {  	[sflag:s0] =	ssyncadd.s32 @!p0 s1  }
0xd6: {  	[bflag:$0x3] =	sbarrier.arrive $0xFFFF  }
0xd7: {  	_ =	shalt  }

</sc_bundles>
